<compile_context>
chip_gen: v7x
topology: tpu7x:2x2x1
jax: 0.10.2.dev20260603
libtpu: 0.0.44.dev20260713+nightly
codegen_flags: <defaults>
</compile_context>

<pallas_src>
import functools

import jax
import jax.numpy as jnp
from jax import lax
from jax.experimental import pallas as pl
from jax.experimental.pallas import tpu as pltpu
from jax.experimental.pallas import tpu_sc as plsc

_N_USERS = 1000000
_EMBED = 16
_B = 16384
_ROWS = 2000000
_TI = _ROWS // 128
_HALF = _TI * 8 * 128
_OHALF = (_B // 128) * 8 * 128

_info = plsc.get_sparse_core_info()
_NC = _info.num_cores
_NS = _info.num_subcores
_L = _info.num_lanes
_NW = _NC * _NS
_BPW = _B // _NW
_WPW = _BPW * 8

_mesh = plsc.VectorSubcoreMesh(core_axis_name="c", subcore_axis_name="s")


@functools.partial(
    pl.kernel,
    mesh=_mesh,
    compiler_params=pltpu.CompilerParams(
        use_tc_tiling_on_sc=False,
        disable_bounds_checks=True,
        skip_device_barrier=True,
    ),
    out_type=[
        jax.ShapeDtypeStruct((2 * _OHALF,), jnp.float32),
        jax.ShapeDtypeStruct((2 * _OHALF,), jnp.float32),
        jax.ShapeDtypeStruct((2 * _OHALF,), jnp.float32),
    ],
    scratch_types=[
        pltpu.VMEM((_BPW,), jnp.int32),
        pltpu.VMEM((_BPW,), jnp.int32),
        pltpu.VMEM((_BPW,), jnp.int32),
        pltpu.VMEM((2, _WPW), jnp.int32),
        pltpu.VMEM((2, _WPW), jnp.int32),
        pltpu.VMEM((2, _WPW), jnp.int32),
        pltpu.VMEM((2, _WPW), jnp.float32),
        pltpu.VMEM((2, _WPW), jnp.float32),
        pltpu.VMEM((2, _WPW), jnp.float32),
        pltpu.SemaphoreType.DMA,
        pltpu.SemaphoreType.DMA,
    ],
)
def _mf_gather(users_hbm, pos_hbm, neg_hbm, table_hbm,
               u_out, p_out, n_out,
               stage_u, stage_p, stage_n,
               addr_u, addr_p, addr_n, rows_u, rows_p, rows_n,
               sem, sem2):
    wid = lax.axis_index("s") * _NC + lax.axis_index("c")
    base = wid * _BPW

    stagings = [
        pltpu.async_copy(src.at[pl.ds(base, _BPW)], dst, sem2)
        for src, dst in ((users_hbm, stage_u), (pos_hbm, stage_p),
                         (neg_hbm, stage_n))
    ]

    def compute_addrs(staging, stage, addrs, item_offset):
        staging.wait()

        def body(m, _):
            v = stage[pl.ds(m * _L, _L)] + item_offset
            b = ((v >> 7) << 10) + (v & 127)
            c = (m >> 3) << 10
            lv = (m & 7) << 4
            for f in range(8):
                addrs[0, pl.ds(c + f * 128 + lv, _L)] = b + f * 128
                addrs[1, pl.ds(c + f * 128 + lv, _L)] = b + (_HALF + f * 128)
            return 0
        lax.fori_loop(0, _BPW // _L, body, 0)

    def fire(addrs, rows):
        return [
            pltpu.async_copy(table_hbm.at[addrs.at[tf]], rows.at[tf], sem)
            for tf in range(2)
        ]

    compute_addrs(stagings[0], stage_u, addr_u, 0)
    cu = fire(addr_u, rows_u)
    compute_addrs(stagings[1], stage_p, addr_p, _N_USERS)
    cp = fire(addr_p, rows_p)
    compute_addrs(stagings[2], stage_n, addr_n, _N_USERS)
    cn = fire(addr_n, rows_n)

    outs = []
    for copies, rows, out in ((cu, rows_u, u_out), (cp, rows_p, p_out),
                              (cn, rows_n, n_out)):
        for tf in range(2):
            copies[tf].wait()
            outs.append(pltpu.async_copy(
                rows.at[tf],
                out.at[pl.ds(tf * _OHALF + wid * _WPW, _WPW)],
                sem2,
            ))
    for c in outs:
        c.wait()


def kernel(users, pos_items, neg_items, weight):
    wphys = (weight.reshape(_TI, 128, 2, 8)
                   .transpose(2, 0, 3, 1)
                   .reshape(2 * _HALF))
    u_f, p_f, n_f = _mf_gather(
        users.astype(jnp.int32),
        pos_items.astype(jnp.int32),
        neg_items.astype(jnp.int32),
        wphys,
    )

    def unflatten(o):
        return (o.reshape(2, _B // 128, 8, 128)
                 .transpose(1, 3, 0, 2)
                 .reshape(_B, _EMBED))

    return (unflatten(u_f), unflatten(p_f), unflatten(n_f))

# --- scband reference (transcript-rebuilt; emitter-appended) ---
"""Pipeline reference for scband-mf-42296837931278 (READ-ONLY COPY).

The authoritative reference and input builder live on the scoring server;
editing this copy changes nothing except your own understanding.
"""

import jax, jax.numpy as jnp
import numpy as np

N_USERS = 1000000
N_ITEMS = 1000000
EMBED = 16
B = 16384


def setup_inputs(seed: int = 0) -> dict:
    key = jax.random.key(seed)
    k1, k2, k3, k4 = jax.random.split(key, 4)
    users = jax.random.randint(k1, (B,), 0, N_USERS, dtype=jnp.int64) if jax.config.jax_enable_x64 else jax.random.randint(k1, (B,), 0, N_USERS)
    pos_items = jax.random.randint(k2, (B,), 0, N_ITEMS)
    neg_items = jax.random.randint(k3, (B,), 0, N_ITEMS)
    # xavier_uniform init for embedding weight [n_users + n_items, embed_size]
    fan_in = N_USERS + N_ITEMS
    fan_out = EMBED
    bound = float(np.sqrt(6.0 / (fan_in + fan_out)))
    weight = jax.random.uniform(k4, (N_USERS + N_ITEMS, EMBED), minval=-bound, maxval=bound, dtype=jnp.float32)
    return {"users": users, "pos_items": pos_items, "neg_items": neg_items, "weight": weight}


def reference(users, pos_items, neg_items, weight):
    u_emb = jnp.take(weight, users, axis=0)
    pos_emb = jnp.take(weight, N_USERS + pos_items, axis=0)
    neg_emb = jnp.take(weight, N_USERS + neg_items, axis=0)
    return (u_emb, pos_emb, neg_emb)

if __name__ == "__main__":
    import jax
    _d = setup_inputs()
    print(jax.jit(kernel)(*tuple(_d.values())))

</pallas_src>

<mosaic_0001>
#map = affine_map<(d0, d1) -> (0)>
module attributes {stable_mosaic.version = 14 : i64} {
  func.func @_mf_gather(%arg0: i32, %arg1: i32, %arg2: memref<16384xi32, #tpu.memory_space<hbm>>, %arg3: memref<16384xi32, #tpu.memory_space<hbm>>, %arg4: memref<16384xi32, #tpu.memory_space<hbm>>, %arg5: memref<32000000xf32, #tpu.memory_space<hbm>>, %arg6: memref<262144xf32, #tpu.memory_space<hbm>>, %arg7: memref<262144xf32, #tpu.memory_space<hbm>>, %arg8: memref<262144xf32, #tpu.memory_space<hbm>>, %arg9: memref<512xi32, #tpu.memory_space<vmem>>, %arg10: memref<512xi32, #tpu.memory_space<vmem>>, %arg11: memref<512xi32, #tpu.memory_space<vmem>>, %arg12: memref<2x4096xi32, #tpu.memory_space<vmem>>, %arg13: memref<2x4096xi32, #tpu.memory_space<vmem>>, %arg14: memref<2x4096xi32, #tpu.memory_space<vmem>>, %arg15: memref<2x4096xf32, #tpu.memory_space<vmem>>, %arg16: memref<2x4096xf32, #tpu.memory_space<vmem>>, %arg17: memref<2x4096xf32, #tpu.memory_space<vmem>>, %arg18: memref<!tpu.dma_semaphore, #tpu.memory_space<semaphore_mem>>, %arg19: memref<!tpu.dma_semaphore, #tpu.memory_space<semaphore_mem>>) attributes {dimension_semantics = [#tpu.dimension_semantics<core_parallel>, #tpu.dimension_semantics<subcore_parallel>], iteration_bounds = array<i64: 2, 16>, scalar_prefetch = 0 : i64, scratch_operands = 11 : i64, tpu.core_type = #tpu.core_type<sc_vector_subcore>, window_params = [{transform_indices = #map}, {transform_indices = #map}, {transform_indices = #map}, {transform_indices = #map}, {transform_indices = #map}, {transform_indices = #map}, {transform_indices = #map}]} {
    %mul3A = arith.constant 2 : i32
    %mul3A_0 = arith.muli %arg1, %mul3A : i32
    %add3A = arith.addi %mul3A_0, %arg0 : i32
    %mul3A_1 = arith.constant 512 : i32
    %mul3A_2 = arith.muli %add3A, %mul3A_1 : i32
    %dma_start3A = tpu.memref_slice %arg2[%mul3A_2] : memref<16384xi32, #tpu.memory_space<hbm>> -> memref<512xi32, #tpu.memory_space<hbm>>
    %dma_start3A_3 = tpu.memref_slice %arg2[%mul3A_2] : memref<16384xi32, #tpu.memory_space<hbm>> -> memref<512xi32, #tpu.memory_space<hbm>>
    tpu.enqueue_dma source(%dma_start3A_3 : memref<512xi32, #tpu.memory_space<hbm>>) target(%arg9 : memref<512xi32, #tpu.memory_space<vmem>>) target_semaphore(%arg19 : memref<!tpu.dma_semaphore, #tpu.memory_space<semaphore_mem>>)
    %dma_start3A_4 = tpu.memref_slice %arg3[%mul3A_2] : memref<16384xi32, #tpu.memory_space<hbm>> -> memref<512xi32, #tpu.memory_space<hbm>>
    %dma_start3A_5 = tpu.memref_slice %arg3[%mul3A_2] : memref<16384xi32, #tpu.memory_space<hbm>> -> memref<512xi32, #tpu.memory_space<hbm>>
    tpu.enqueue_dma source(%dma_start3A_5 : memref<512xi32, #tpu.memory_space<hbm>>) target(%arg10 : memref<512xi32, #tpu.memory_space<vmem>>) target_semaphore(%arg19 : memref<!tpu.dma_semaphore, #tpu.memory_space<semaphore_mem>>)
    %dma_start3A_6 = tpu.memref_slice %arg4[%mul3A_2] : memref<16384xi32, #tpu.memory_space<hbm>> -> memref<512xi32, #tpu.memory_space<hbm>>
    %dma_start3A_7 = tpu.memref_slice %arg4[%mul3A_2] : memref<16384xi32, #tpu.memory_space<hbm>> -> memref<512xi32, #tpu.memory_space<hbm>>
    tpu.enqueue_dma source(%dma_start3A_7 : memref<512xi32, #tpu.memory_space<hbm>>) target(%arg11 : memref<512xi32, #tpu.memory_space<vmem>>) target_semaphore(%arg19 : memref<!tpu.dma_semaphore, #tpu.memory_space<semaphore_mem>>)
    %dma_wait3A = tpu.memref_slice %arg2[%mul3A_2] : memref<16384xi32, #tpu.memory_space<hbm>> -> memref<512xi32, #tpu.memory_space<hbm>>
    %dma_wait3A_8 = tpu.memref_slice %arg2[%mul3A_2] : memref<16384xi32, #tpu.memory_space<hbm>> -> memref<512xi32, #tpu.memory_space<hbm>>
    tpu.wait_dma2 semaphore(%arg19 : memref<!tpu.dma_semaphore, #tpu.memory_space<semaphore_mem>>) src(%dma_wait3A_8 : memref<512xi32, #tpu.memory_space<hbm>>) dst(%arg9 : memref<512xi32, #tpu.memory_space<vmem>>)
    %scan3A = arith.constant 0 : i32
    %scan3A_9 = arith.constant 0 : i32
    %scan3A_10 = arith.constant 32 : i32
    %scan3A_11 = arith.addi %scan3A_9, %scan3A_10 : i32
    %scan3A_12 = arith.constant 1 : i32
    %scan3A_13 = scf.for %scan3A_285 = %scan3A_9 to %scan3A_11 step %scan3A_12 iter_args(%scan3A_286 = %scan3A) -> (i32)  : i32 {
      %mul3A_287 = arith.constant 16 : i32
      %mul3A_288 = arith.muli %scan3A_285, %mul3A_287 : i32
      %get3A = arith.index_cast %mul3A_288 : i32 to index
      %get3A_289 = tpu.vector_load %arg9[%get3A] {strides = array<i32>} : memref<512xi32, #tpu.memory_space<vmem>>, vector<16xi32>,
      %get3A_290 = vector.shape_cast %get3A_289 : vector<16xi32> to vector<16xi32>
      %add3A_291 = arith.constant 0 : i32
      %add3A_292 = vector.broadcast %add3A_291 : i32 to vector<16xi32>
      %add3A_293 = arith.addi %get3A_290, %add3A_292 : vector<16xi32>
      %shift_right_arithmetic3A = arith.constant 7 : i32
      %shift_right_arithmetic3A_294 = vector.broadcast %shift_right_arithmetic3A : i32 to vector<16xi32>
      %shift_right_arithmetic3A_295 = arith.shrsi %add3A_293, %shift_right_arithmetic3A_294 : vector<16xi32>
      %shift_left3A = arith.constant 10 : i32
      %shift_left3A_296 = vector.broadcast %shift_left3A : i32 to vector<16xi32>
      %shift_left3A_297 = arith.shli %shift_right_arithmetic3A_295, %shift_left3A_296 : vector<16xi32>
      %and3A = arith.constant 127 : i32
      %and3A_298 = vector.broadcast %and3A : i32 to vector<16xi32>
      %and3A_299 = arith.andi %add3A_293, %and3A_298 : vector<16xi32>
      %add3A_300 = arith.addi %shift_left3A_297, %and3A_299 : vector<16xi32>
      %shift_right_arithmetic3A_301 = arith.constant 3 : i32
      %shift_right_arithmetic3A_302 = arith.shrsi %scan3A_285, %shift_right_arithmetic3A_301 : i32
      %shift_left3A_303 = arith.constant 10 : i32
      %shift_left3A_304 = arith.shli %shift_right_arithmetic3A_302, %shift_left3A_303 : i32
      %and3A_305 = arith.constant 7 : i32
      %and3A_306 = arith.andi %scan3A_285, %and3A_305 : i32
      %shift_left3A_307 = arith.constant 4 : i32
      %shift_left3A_308 = arith.shli %and3A_306, %shift_left3A_307 : i32
      %add3A_309 = arith.constant 0 : i32
      %add3A_310 = vector.broadcast %add3A_309 : i32 to vector<16xi32>
      %add3A_311 = arith.addi %add3A_300, %add3A_310 : vector<16xi32>
      %add3A_312 = arith.constant 0 : i32
      %add3A_313 = arith.addi %shift_left3A_304, %add3A_312 : i32
      %add3A_314 = arith.addi %add3A_313, %shift_left3A_308 : i32
      %swap3A = arith.constant 0 : i32
      %swap3A_315 = arith.index_cast %swap3A : i32 to index
      %swap3A_316 = arith.index_cast %add3A_314 : i32 to index
      %swap3A_317 = tpu.vector_load %arg12[%swap3A_315, %swap3A_316] {strides = array<i32>} : memref<2x4096xi32, #tpu.memory_space<vmem>>, vector<1x16xi32>,
      %swap3A_318 = vector.shape_cast %swap3A_317 : vector<1x16xi32> to vector<16xi32>
      %swap3A_319 = vector.shape_cast %add3A_311 : vector<16xi32> to vector<1x16xi32>
      tpu.vector_store %arg12[%swap3A_315, %swap3A_316], %swap3A_319 {strides = array<i32>} : memref<2x4096xi32, #tpu.memory_space<vmem>>, vector<1x16xi32>,
      %add3A_320 = arith.constant 16000000 : i32
      %add3A_321 = vector.broadcast %add3A_320 : i32 to vector<16xi32>
      %add3A_322 = arith.addi %add3A_300, %add3A_321 : vector<16xi32>
      %add3A_323 = arith.constant 0 : i32
      %add3A_324 = arith.addi %shift_left3A_304, %add3A_323 : i32
      %add3A_325 = arith.addi %add3A_324, %shift_left3A_308 : i32
      %swap3A_326 = arith.constant 1 : i32
      %swap3A_327 = arith.index_cast %swap3A_326 : i32 to index
      %swap3A_328 = arith.index_cast %add3A_325 : i32 to index
      %swap3A_329 = tpu.vector_load %arg12[%swap3A_327, %swap3A_328] {strides = array<i32>} : memref<2x4096xi32, #tpu.memory_space<vmem>>, vector<1x16xi32>,
      %swap3A_330 = vector.shape_cast %swap3A_329 : vector<1x16xi32> to vector<16xi32>
      %swap3A_331 = vector.shape_cast %add3A_322 : vector<16xi32> to vector<1x16xi32>
      tpu.vector_store %arg12[%swap3A_327, %swap3A_328], %swap3A_331 {strides = array<i32>} : memref<2x4096xi32, #tpu.memory_space<vmem>>, vector<1x16xi32>,
      %add3A_332 = arith.constant 128 : i32
      %add3A_333 = vector.broadcast %add3A_332 : i32 to vector<16xi32>
      %add3A_334 = arith.addi %add3A_300, %add3A_333 : vector<16xi32>
      %add3A_335 = arith.constant 128 : i32
      %add3A_336 = arith.addi %shift_left3A_304, %add3A_335 : i32
      %add3A_337 = arith.addi %add3A_336, %shift_left3A_308 : i32
      %swap3A_338 = arith.constant 0 : i32
      %swap3A_339 = arith.index_cast %swap3A_338 : i32 to index
      %swap3A_340 = arith.index_cast %add3A_337 : i32 to index
      %swap3A_341 = tpu.vector_load %arg12[%swap3A_339, %swap3A_340] {strides = array<i32>} : memref<2x4096xi32, #tpu.memory_space<vmem>>, vector<1x16xi32>,
      %swap3A_342 = vector.shape_cast %swap3A_341 : vector<1x16xi32> to vector<16xi32>
      %swap3A_343 = vector.shape_cast %add3A_334 : vector<16xi32> to vector<1x16xi32>
      tpu.vector_store %arg12[%swap3A_339, %swap3A_340], %swap3A_343 {strides = array<i32>} : memref<2x4096xi32, #tpu.memory_space<vmem>>, vector<1x16xi32>,
      %add3A_344 = arith.constant 16000128 : i32
      %add3A_345 = vector.broadcast %add3A_344 : i32 to vector<16xi32>
      %add3A_346 = arith.addi %add3A_300, %add3A_345 : vector<16xi32>
      %add3A_347 = arith.constant 128 : i32
      %add3A_348 = arith.addi %shift_left3A_304, %add3A_347 : i32
      %add3A_349 = arith.addi %add3A_348, %shift_left3A_308 : i32
      %swap3A_350 = arith.constant 1 : i32
      %swap3A_351 = arith.index_cast %swap3A_350 : i32 to index
      %swap3A_352 = arith.index_cast %add3A_349 : i32 to index
      %swap3A_353 = tpu.vector_load %arg12[%swap3A_351, %swap3A_352] {strides = array<i32>} : memref<2x4096xi32, #tpu.memory_space<vmem>>, vector<1x16xi32>,
      %swap3A_354 = vector.shape_cast %swap3A_353 : vector<1x16xi32> to vector<16xi32>
      %swap3A_355 = vector.shape_cast %add3A_346 : vector<16xi32> to vector<1x16xi32>
      tpu.vector_store %arg12[%swap3A_351, %swap3A_352], %swap3A_355 {strides = array<i32>} : memref<2x4096xi32, #tpu.memory_space<vmem>>, vector<1x16xi32>,
      %add3A_356 = arith.constant 256 : i32
      %add3A_357 = vector.broadcast %add3A_356 : i32 to vector<16xi32>
      %add3A_358 = arith.addi %add3A_300, %add3A_357 : vector<16xi32>
      %add3A_359 = arith.constant 256 : i32
      %add3A_360 = arith.addi %shift_left3A_304, %add3A_359 : i32
      %add3A_361 = arith.addi %add3A_360, %shift_left3A_308 : i32
      %swap3A_362 = arith.constant 0 : i32
      %swap3A_363 = arith.index_cast %swap3A_362 : i32 to index
      %swap3A_364 = arith.index_cast %add3A_361 : i32 to index
      %swap3A_365 = tpu.vector_load %arg12[%swap3A_363, %swap3A_364] {strides = array<i32>} : memref<2x4096xi32, #tpu.memory_space<vmem>>, vector<1x16xi32>,
      %swap3A_366 = vector.shape_cast %swap3A_365 : vector<1x16xi32> to vector<16xi32>
      %swap3A_367 = vector.shape_cast %add3A_358 : vector<16xi32> to vector<1x16xi32>
      tpu.vector_store %arg12[%swap3A_363, %swap3A_364], %swap3A_367 {strides = array<i32>} : memref<2x4096xi32, #tpu.memory_space<vmem>>, vector<1x16xi32>,
      %add3A_368 = arith.constant 16000256 : i32
      %add3A_369 = vector.broadcast %add3A_368 : i32 to vector<16xi32>
      %add3A_370 = arith.addi %add3A_300, %add3A_369 : vector<16xi32>
      %add3A_371 = arith.constant 256 : i32
      %add3A_372 = arith.addi %shift_left3A_304, %add3A_371 : i32
      %add3A_373 = arith.addi %add3A_372, %shift_left3A_308 : i32
      %swap3A_374 = arith.constant 1 : i32
      %swap3A_375 = arith.index_cast %swap3A_374 : i32 to index
      %swap3A_376 = arith.index_cast %add3A_373 : i32 to index
      %swap3A_377 = tpu.vector_load %arg12[%swap3A_375, %swap3A_376] {strides = array<i32>} : memref<2x4096xi32, #tpu.memory_space<vmem>>, vector<1x16xi32>,
      %swap3A_378 = vector.shape_cast %swap3A_377 : vector<1x16xi32> to vector<16xi32>
      %swap3A_379 = vector.shape_cast %add3A_370 : vector<16xi32> to vector<1x16xi32>
      tpu.vector_store %arg12[%swap3A_375, %swap3A_376], %swap3A_379 {strides = array<i32>} : memref<2x4096xi32, #tpu.memory_space<vmem>>, vector<1x16xi32>,
      %add3A_380 = arith.constant 384 : i32
      %add3A_381 = vector.broadcast %add3A_380 : i32 to vector<16xi32>
      %add3A_382 = arith.addi %add3A_300, %add3A_381 : vector<16xi32>
      %add3A_383 = arith.constant 384 : i32
      %add3A_384 = arith.addi %shift_left3A_304, %add3A_383 : i32
      %add3A_385 = arith.addi %add3A_384, %shift_left3A_308 : i32
      %swap3A_386 = arith.constant 0 : i32
      %swap3A_387 = arith.index_cast %swap3A_386 : i32 to index
      %swap3A_388 = arith.index_cast %add3A_385 : i32 to index
      %swap3A_389 = tpu.vector_load %arg12[%swap3A_387, %swap3A_388] {strides = array<i32>} : memref<2x4096xi32, #tpu.memory_space<vmem>>, vector<1x16xi32>,
      %swap3A_390 = vector.shape_cast %swap3A_389 : vector<1x16xi32> to vector<16xi32>
      %swap3A_391 = vector.shape_cast %add3A_382 : vector<16xi32> to vector<1x16xi32>
      tpu.vector_store %arg12[%swap3A_387, %swap3A_388], %swap3A_391 {strides = array<i32>} : memref<2x4096xi32, #tpu.memory_space<vmem>>, vector<1x16xi32>,
      %add3A_392 = arith.constant 16000384 : i32
      %add3A_393 = vector.broadcast %add3A_392 : i32 to vector<16xi32>
      %add3A_394 = arith.addi %add3A_300, %add3A_393 : vector<16xi32>
      %add3A_395 = arith.constant 384 : i32
      %add3A_396 = arith.addi %shift_left3A_304, %add3A_395 : i32
      %add3A_397 = arith.addi %add3A_396, %shift_left3A_308 : i32
      %swap3A_398 = arith.constant 1 : i32
      %swap3A_399 = arith.index_cast %swap3A_398 : i32 to index
      %swap3A_400 = arith.index_cast %add3A_397 : i32 to index
      %swap3A_401 = tpu.vector_load %arg12[%swap3A_399, %swap3A_400] {strides = array<i32>} : memref<2x4096xi32, #tpu.memory_space<vmem>>, vector<1x16xi32>,
      %swap3A_402 = vector.shape_cast %swap3A_401 : vector<1x16xi32> to vector<16xi32>
      %swap3A_403 = vector.shape_cast %add3A_394 : vector<16xi32> to vector<1x16xi32>
      tpu.vector_store %arg12[%swap3A_399, %swap3A_400], %swap3A_403 {strides = array<i32>} : memref<2x4096xi32, #tpu.memory_space<vmem>>, vector<1x16xi32>,
      %add3A_404 = arith.constant 512 : i32
      %add3A_405 = vector.broadcast %add3A_404 : i32 to vector<16xi32>
      %add3A_406 = arith.addi %add3A_300, %add3A_405 : vector<16xi32>
      %add3A_407 = arith.constant 512 : i32
      %add3A_408 = arith.addi %shift_left3A_304, %add3A_407 : i32
      %add3A_409 = arith.addi %add3A_408, %shift_left3A_308 : i32
      %swap3A_410 = arith.constant 0 : i32
      %swap3A_411 = arith.index_cast %swap3A_410 : i32 to index
      %swap3A_412 = arith.index_cast %add3A_409 : i32 to index
      %swap3A_413 = tpu.vector_load %arg12[%swap3A_411, %swap3A_412] {strides = array<i32>} : memref<2x4096xi32, #tpu.memory_space<vmem>>, vector<1x16xi32>,
      %swap3A_414 = vector.shape_cast %swap3A_413 : vector<1x16xi32> to vector<16xi32>
      %swap3A_415 = vector.shape_cast %add3A_406 : vector<16xi32> to vector<1x16xi32>
      tpu.vector_store %arg12[%swap3A_411, %swap3A_412], %swap3A_415 {strides = array<i32>} : memref<2x4096xi32, #tpu.memory_space<vmem>>, vector<1x16xi32>,
      %add3A_416 = arith.constant 16000512 : i32
      %add3A_417 = vector.broadcast %add3A_416 : i32 to vector<16xi32>
      %add3A_418 = arith.addi %add3A_300, %add3A_417 : vector<16xi32>
      %add3A_419 = arith.constant 512 : i32
      %add3A_420 = arith.addi %shift_left3A_304, %add3A_419 : i32
      %add3A_421 = arith.addi %add3A_420, %shift_left3A_308 : i32
      %swap3A_422 = arith.constant 1 : i32
      %swap3A_423 = arith.index_cast %swap3A_422 : i32 to index
      %swap3A_424 = arith.index_cast %add3A_421 : i32 to index
      %swap3A_425 = tpu.vector_load %arg12[%swap3A_423, %swap3A_424] {strides = array<i32>} : memref<2x4096xi32, #tpu.memory_space<vmem>>, vector<1x16xi32>,
      %swap3A_426 = vector.shape_cast %swap3A_425 : vector<1x16xi32> to vector<16xi32>
      %swap3A_427 = vector.shape_cast %add3A_418 : vector<16xi32> to vector<1x16xi32>
      tpu.vector_store %arg12[%swap3A_423, %swap3A_424], %swap3A_427 {strides = array<i32>} : memref<2x4096xi32, #tpu.memory_space<vmem>>, vector<1x16xi32>,
      %add3A_428 = arith.constant 640 : i32
      %add3A_429 = vector.broadcast %add3A_428 : i32 to vector<16xi32>
      %add3A_430 = arith.addi %add3A_300, %add3A_429 : vector<16xi32>
      %add3A_431 = arith.constant 640 : i32
      %add3A_432 = arith.addi %shift_left3A_304, %add3A_431 : i32
      %add3A_433 = arith.addi %add3A_432, %shift_left3A_308 : i32
      %swap3A_434 = arith.constant 0 : i32
      %swap3A_435 = arith.index_cast %swap3A_434 : i32 to index
      %swap3A_436 = arith.index_cast %add3A_433 : i32 to index
      %swap3A_437 = tpu.vector_load %arg12[%swap3A_435, %swap3A_436] {strides = array<i32>} : memref<2x4096xi32, #tpu.memory_space<vmem>>, vector<1x16xi32>,
      %swap3A_438 = vector.shape_cast %swap3A_437 : vector<1x16xi32> to vector<16xi32>
      %swap3A_439 = vector.shape_cast %add3A_430 : vector<16xi32> to vector<1x16xi32>
      tpu.vector_store %arg12[%swap3A_435, %swap3A_436], %swap3A_439 {strides = array<i32>} : memref<2x4096xi32, #tpu.memory_space<vmem>>, vector<1x16xi32>,
      %add3A_440 = arith.constant 16000640 : i32
      %add3A_441 = vector.broadcast %add3A_440 : i32 to vector<16xi32>
      %add3A_442 = arith.addi %add3A_300, %add3A_441 : vector<16xi32>
      %add3A_443 = arith.constant 640 : i32
      %add3A_444 = arith.addi %shift_left3A_304, %add3A_443 : i32
      %add3A_445 = arith.addi %add3A_444, %shift_left3A_308 : i32
      %swap3A_446 = arith.constant 1 : i32
      %swap3A_447 = arith.index_cast %swap3A_446 : i32 to index
      %swap3A_448 = arith.index_cast %add3A_445 : i32 to index
      %swap3A_449 = tpu.vector_load %arg12[%swap3A_447, %swap3A_448] {strides = array<i32>} : memref<2x4096xi32, #tpu.memory_space<vmem>>, vector<1x16xi32>,
      %swap3A_450 = vector.shape_cast %swap3A_449 : vector<1x16xi32> to vector<16xi32>
      %swap3A_451 = vector.shape_cast %add3A_442 : vector<16xi32> to vector<1x16xi32>
      tpu.vector_store %arg12[%swap3A_447, %swap3A_448], %swap3A_451 {strides = array<i32>} : memref<2x4096xi32, #tpu.memory_space<vmem>>, vector<1x16xi32>,
      %add3A_452 = arith.constant 768 : i32
      %add3A_453 = vector.broadcast %add3A_452 : i32 to vector<16xi32>
      %add3A_454 = arith.addi %add3A_300, %add3A_453 : vector<16xi32>
      %add3A_455 = arith.constant 768 : i32
      %add3A_456 = arith.addi %shift_left3A_304, %add3A_455 : i32
      %add3A_457 = arith.addi %add3A_456, %shift_left3A_308 : i32
      %swap3A_458 = arith.constant 0 : i32
      %swap3A_459 = arith.index_cast %swap3A_458 : i32 to index
      %swap3A_460 = arith.index_cast %add3A_457 : i32 to index
      %swap3A_461 = tpu.vector_load %arg12[%swap3A_459, %swap3A_460] {strides = array<i32>} : memref<2x4096xi32, #tpu.memory_space<vmem>>, vector<1x16xi32>,
      %swap3A_462 = vector.shape_cast %swap3A_461 : vector<1x16xi32> to vector<16xi32>
      %swap3A_463 = vector.shape_cast %add3A_454 : vector<16xi32> to vector<1x16xi32>
      tpu.vector_store %arg12[%swap3A_459, %swap3A_460], %swap3A_463 {strides = array<i32>} : memref<2x4096xi32, #tpu.memory_space<vmem>>, vector<1x16xi32>,
      %add3A_464 = arith.constant 16000768 : i32
      %add3A_465 = vector.broadcast %add3A_464 : i32 to vector<16xi32>
      %add3A_466 = arith.addi %add3A_300, %add3A_465 : vector<16xi32>
      %add3A_467 = arith.constant 768 : i32
      %add3A_468 = arith.addi %shift_left3A_304, %add3A_467 : i32
      %add3A_469 = arith.addi %add3A_468, %shift_left3A_308 : i32
      %swap3A_470 = arith.constant 1 : i32
      %swap3A_471 = arith.index_cast %swap3A_470 : i32 to index
      %swap3A_472 = arith.index_cast %add3A_469 : i32 to index
      %swap3A_473 = tpu.vector_load %arg12[%swap3A_471, %swap3A_472] {strides = array<i32>} : memref<2x4096xi32, #tpu.memory_space<vmem>>, vector<1x16xi32>,
      %swap3A_474 = vector.shape_cast %swap3A_473 : vector<1x16xi32> to vector<16xi32>
      %swap3A_475 = vector.shape_cast %add3A_466 : vector<16xi32> to vector<1x16xi32>
      tpu.vector_store %arg12[%swap3A_471, %swap3A_472], %swap3A_475 {strides = array<i32>} : memref<2x4096xi32, #tpu.memory_space<vmem>>, vector<1x16xi32>,
      %add3A_476 = arith.constant 896 : i32
      %add3A_477 = vector.broadcast %add3A_476 : i32 to vector<16xi32>
      %add3A_478 = arith.addi %add3A_300, %add3A_477 : vector<16xi32>
      %add3A_479 = arith.constant 896 : i32
      %add3A_480 = arith.addi %shift_left3A_304, %add3A_479 : i32
      %add3A_481 = arith.addi %add3A_480, %shift_left3A_308 : i32
      %swap3A_482 = arith.constant 0 : i32
      %swap3A_483 = arith.index_cast %swap3A_482 : i32 to index
      %swap3A_484 = arith.index_cast %add3A_481 : i32 to index
      %swap3A_485 = tpu.vector_load %arg12[%swap3A_483, %swap3A_484] {strides = array<i32>} : memref<2x4096xi32, #tpu.memory_space<vmem>>, vector<1x16xi32>,
      %swap3A_486 = vector.shape_cast %swap3A_485 : vector<1x16xi32> to vector<16xi32>
      %swap3A_487 = vector.shape_cast %add3A_478 : vector<16xi32> to vector<1x16xi32>
      tpu.vector_store %arg12[%swap3A_483, %swap3A_484], %swap3A_487 {strides = array<i32>} : memref<2x4096xi32, #tpu.memory_space<vmem>>, vector<1x16xi32>,
      %add3A_488 = arith.constant 16000896 : i32
      %add3A_489 = vector.broadcast %add3A_488 : i32 to vector<16xi32>
      %add3A_490 = arith.addi %add3A_300, %add3A_489 : vector<16xi32>
      %add3A_491 = arith.constant 896 : i32
      %add3A_492 = arith.addi %shift_left3A_304, %add3A_491 : i32
      %add3A_493 = arith.addi %add3A_492, %shift_left3A_308 : i32
      %swap3A_494 = arith.constant 1 : i32
      %swap3A_495 = arith.index_cast %swap3A_494 : i32 to index
      %swap3A_496 = arith.index_cast %add3A_493 : i32 to index
      %swap3A_497 = tpu.vector_load %arg12[%swap3A_495, %swap3A_496] {strides = array<i32>} : memref<2x4096xi32, #tpu.memory_space<vmem>>, vector<1x16xi32>,
      %swap3A_498 = vector.shape_cast %swap3A_497 : vector<1x16xi32> to vector<16xi32>
      %swap3A_499 = vector.shape_cast %add3A_490 : vector<16xi32> to vector<1x16xi32>
      tpu.vector_store %arg12[%swap3A_495, %swap3A_496], %swap3A_499 {strides = array<i32>} : memref<2x4096xi32, #tpu.memory_space<vmem>>, vector<1x16xi32>,
      %scan3A_500 = arith.constant 0 : i32
      scf.yield %scan3A_500 : i32
    }
    %scan3A_14 = arith.constant 32 : i32
    %dma_start3A_15 = arith.constant 0 : i32
    %dma_start3A_16 = arith.constant 0 : i32
    %dma_start3A_17 = arith.constant 0 : i32
    %dma_start3A_18 = tpu.memref_slice %arg15[%dma_start3A_16, %dma_start3A_17] : memref<2x4096xf32, #tpu.memory_space<vmem>> -> memref<1x4096xf32, #tpu.memory_space<vmem>>
    %dma_start3A_19 = tpu.memref_squeeze %dma_start3A_18 : memref<1x4096xf32, #tpu.memory_space<vmem>> -> memref<4096xf32, #tpu.memory_space<vmem>>
    %dma_start3A_20 = arith.constant 0 : i32
    %dma_start3A_21 = tpu.memref_slice %arg12[%dma_start3A_15, %dma_start3A_20] : memref<2x4096xi32, #tpu.memory_space<vmem>> -> memref<1x4096xi32, #tpu.memory_space<vmem>>
    %dma_start3A_22 = tpu.memref_squeeze %dma_start3A_21 : memref<1x4096xi32, #tpu.memory_space<vmem>> -> memref<4096xi32, #tpu.memory_space<vmem>>
    %dma_start3A_23 = arith.constant 0 : i32
    %dma_start3A_24 = tpu.memref_slice %arg5[%dma_start3A_23] : memref<32000000xf32, #tpu.memory_space<hbm>> -> memref<32000000xf32, #tpu.memory_space<hbm>>
    tpu.enqueue_indirect_dma source(%dma_start3A_24 : memref<32000000xf32, #tpu.memory_space<hbm>>) target(%dma_start3A_19 : memref<4096xf32, #tpu.memory_space<vmem>>) offsets(%dma_start3A_22 : memref<4096xi32, #tpu.memory_space<vmem>>) semaphore(%arg18 : memref<!tpu.dma_semaphore, #tpu.memory_space<semaphore_mem>>)
    %dma_start3A_25 = arith.constant 1 : i32
    %dma_start3A_26 = arith.constant 1 : i32
    %dma_start3A_27 = arith.constant 0 : i32
    %dma_start3A_28 = tpu.memref_slice %arg15[%dma_start3A_26, %dma_start3A_27] : memref<2x4096xf32, #tpu.memory_space<vmem>> -> memref<1x4096xf32, #tpu.memory_space<vmem>>
    %dma_start3A_29 = tpu.memref_squeeze %dma_start3A_28 : memref<1x4096xf32, #tpu.memory_space<vmem>> -> memref<4096xf32, #tpu.memory_space<vmem>>
    %dma_start3A_30 = arith.constant 0 : i32
    %dma_start3A_31 = tpu.memref_slice %arg12[%dma_start3A_25, %dma_start3A_30] : memref<2x4096xi32, #tpu.memory_space<vmem>> -> memref<1x4096xi32, #tpu.memory_space<vmem>>
    %dma_start3A_32 = tpu.memref_squeeze %dma_start3A_31 : memref<1x4096xi32, #tpu.memory_space<vmem>> -> memref<4096xi32, #tpu.memory_space<vmem>>
    %dma_start3A_33 = arith.constant 0 : i32
    %dma_start3A_34 = tpu.memref_slice %arg5[%dma_start3A_33] : memref<32000000xf32, #tpu.memory_space<hbm>> -> memref<32000000xf32, #tpu.memory_space<hbm>>
    tpu.enqueue_indirect_dma source(%dma_start3A_34 : memref<32000000xf32, #tpu.memory_space<hbm>>) target(%dma_start3A_29 : memref<4096xf32, #tpu.memory_space<vmem>>) offsets(%dma_start3A_32 : memref<4096xi32, #tpu.memory_space<vmem>>) semaphore(%arg18 : memref<!tpu.dma_semaphore, #tpu.memory_space<semaphore_mem>>)
    %dma_wait3A_35 = tpu.memref_slice %arg3[%mul3A_2] : memref<16384xi32, #tpu.memory_space<hbm>> -> memref<512xi32, #tpu.memory_space<hbm>>
    %dma_wait3A_36 = tpu.memref_slice %arg3[%mul3A_2] : memref<16384xi32, #tpu.memory_space<hbm>> -> memref<512xi32, #tpu.memory_space<hbm>>
    tpu.wait_dma2 semaphore(%arg19 : memref<!tpu.dma_semaphore, #tpu.memory_space<semaphore_mem>>) src(%dma_wait3A_36 : memref<512xi32, #tpu.memory_space<hbm>>) dst(%arg10 : memref<512xi32, #tpu.memory_space<vmem>>)
    %scan3A_37 = arith.constant 0 : i32
    %scan3A_38 = arith.constant 0 : i32
    %scan3A_39 = arith.constant 32 : i32
    %scan3A_40 = arith.addi %scan3A_38, %scan3A_39 : i32
    %scan3A_41 = arith.constant 1 : i32
    %scan3A_42 = scf.for %scan3A_285 = %scan3A_38 to %scan3A_40 step %scan3A_41 iter_args(%scan3A_286 = %scan3A_37) -> (i32)  : i32 {
      %mul3A_287 = arith.constant 16 : i32
      %mul3A_288 = arith.muli %scan3A_285, %mul3A_287 : i32
      %get3A = arith.index_cast %mul3A_288 : i32 to index
      %get3A_289 = tpu.vector_load %arg10[%get3A] {strides = array<i32>} : memref<512xi32, #tpu.memory_space<vmem>>, vector<16xi32>,
      %get3A_290 = vector.shape_cast %get3A_289 : vector<16xi32> to vector<16xi32>
      %add3A_291 = arith.constant 1000000 : i32
      %add3A_292 = vector.broadcast %add3A_291 : i32 to vector<16xi32>
      %add3A_293 = arith.addi %get3A_290, %add3A_292 : vector<16xi32>
      %shift_right_arithmetic3A = arith.constant 7 : i32
      %shift_right_arithmetic3A_294 = vector.broadcast %shift_right_arithmetic3A : i32 to vector<16xi32>
      %shift_right_arithmetic3A_295 = arith.shrsi %add3A_293, %shift_right_arithmetic3A_294 : vector<16xi32>
      %shift_left3A = arith.constant 10 : i32
      %shift_left3A_296 = vector.broadcast %shift_left3A : i32 to vector<16xi32>
      %shift_left3A_297 = arith.shli %shift_right_arithmetic3A_295, %shift_left3A_296 : vector<16xi32>
      %and3A = arith.constant 127 : i32
      %and3A_298 = vector.broadcast %and3A : i32 to vector<16xi32>
      %and3A_299 = arith.andi %add3A_293, %and3A_298 : vector<16xi32>
      %add3A_300 = arith.addi %shift_left3A_297, %and3A_299 : vector<16xi32>
      %shift_right_arithmetic3A_301 = arith.constant 3 : i32
      %shift_right_arithmetic3A_302 = arith.shrsi %scan3A_285, %shift_right_arithmetic3A_301 : i32
      %shift_left3A_303 = arith.constant 10 : i32
      %shift_left3A_304 = arith.shli %shift_right_arithmetic3A_302, %shift_left3A_303 : i32
      %and3A_305 = arith.constant 7 : i32
      %and3A_306 = arith.andi %scan3A_285, %and3A_305 : i32
      %shift_left3A_307 = arith.constant 4 : i32
      %shift_left3A_308 = arith.shli %and3A_306, %shift_left3A_307 : i32
      %add3A_309 = arith.constant 0 : i32
      %add3A_310 = vector.broadcast %add3A_309 : i32 to vector<16xi32>
      %add3A_311 = arith.addi %add3A_300, %add3A_310 : vector<16xi32>
      %add3A_312 = arith.constant 0 : i32
      %add3A_313 = arith.addi %shift_left3A_304, %add3A_312 : i32
      %add3A_314 = arith.addi %add3A_313, %shift_left3A_308 : i32
      %swap3A = arith.constant 0 : i32
      %swap3A_315 = arith.index_cast %swap3A : i32 to index
      %swap3A_316 = arith.index_cast %add3A_314 : i32 to index
      %swap3A_317 = tpu.vector_load %arg13[%swap3A_315, %swap3A_316] {strides = array<i32>} : memref<2x4096xi32, #tpu.memory_space<vmem>>, vector<1x16xi32>,
      %swap3A_318 = vector.shape_cast %swap3A_317 : vector<1x16xi32> to vector<16xi32>
      %swap3A_319 = vector.shape_cast %add3A_311 : vector<16xi32> to vector<1x16xi32>
      tpu.vector_store %arg13[%swap3A_315, %swap3A_316], %swap3A_319 {strides = array<i32>} : memref<2x4096xi32, #tpu.memory_space<vmem>>, vector<1x16xi32>,
      %add3A_320 = arith.constant 16000000 : i32
      %add3A_321 = vector.broadcast %add3A_320 : i32 to vector<16xi32>
      %add3A_322 = arith.addi %add3A_300, %add3A_321 : vector<16xi32>
      %add3A_323 = arith.constant 0 : i32
      %add3A_324 = arith.addi %shift_left3A_304, %add3A_323 : i32
      %add3A_325 = arith.addi %add3A_324, %shift_left3A_308 : i32
      %swap3A_326 = arith.constant 1 : i32
      %swap3A_327 = arith.index_cast %swap3A_326 : i32 to index
      %swap3A_328 = arith.index_cast %add3A_325 : i32 to index
      %swap3A_329 = tpu.vector_load %arg13[%swap3A_327, %swap3A_328] {strides = array<i32>} : memref<2x4096xi32, #tpu.memory_space<vmem>>, vector<1x16xi32>,
      %swap3A_330 = vector.shape_cast %swap3A_329 : vector<1x16xi32> to vector<16xi32>
      %swap3A_331 = vector.shape_cast %add3A_322 : vector<16xi32> to vector<1x16xi32>
      tpu.vector_store %arg13[%swap3A_327, %swap3A_328], %swap3A_331 {strides = array<i32>} : memref<2x4096xi32, #tpu.memory_space<vmem>>, vector<1x16xi32>,
      %add3A_332 = arith.constant 128 : i32
      %add3A_333 = vector.broadcast %add3A_332 : i32 to vector<16xi32>
      %add3A_334 = arith.addi %add3A_300, %add3A_333 : vector<16xi32>
      %add3A_335 = arith.constant 128 : i32
      %add3A_336 = arith.addi %shift_left3A_304, %add3A_335 : i32
      %add3A_337 = arith.addi %add3A_336, %shift_left3A_308 : i32
      %swap3A_338 = arith.constant 0 : i32
      %swap3A_339 = arith.index_cast %swap3A_338 : i32 to index
      %swap3A_340 = arith.index_cast %add3A_337 : i32 to index
      %swap3A_341 = tpu.vector_load %arg13[%swap3A_339, %swap3A_340] {strides = array<i32>} : memref<2x4096xi32, #tpu.memory_space<vmem>>, vector<1x16xi32>,
      %swap3A_342 = vector.shape_cast %swap3A_341 : vector<1x16xi32> to vector<16xi32>
      %swap3A_343 = vector.shape_cast %add3A_334 : vector<16xi32> to vector<1x16xi32>
      tpu.vector_store %arg13[%swap3A_339, %swap3A_340], %swap3A_343 {strides = array<i32>} : memref<2x4096xi32, #tpu.memory_space<vmem>>, vector<1x16xi32>,
      %add3A_344 = arith.constant 16000128 : i32
      %add3A_345 = vector.broadcast %add3A_344 : i32 to vector<16xi32>
      %add3A_346 = arith.addi %add3A_300, %add3A_345 : vector<16xi32>
      %add3A_347 = arith.constant 128 : i32
      %add3A_348 = arith.addi %shift_left3A_304, %add3A_347 : i32
      %add3A_349 = arith.addi %add3A_348, %shift_left3A_308 : i32
      %swap3A_350 = arith.constant 1 : i32
      %swap3A_351 = arith.index_cast %swap3A_350 : i32 to index
      %swap3A_352 = arith.index_cast %add3A_349 : i32 to index
      %swap3A_353 = tpu.vector_load %arg13[%swap3A_351, %swap3A_352] {strides = array<i32>} : memref<2x4096xi32, #tpu.memory_space<vmem>>, vector<1x16xi32>,
      %swap3A_354 = vector.shape_cast %swap3A_353 : vector<1x16xi32> to vector<16xi32>
      %swap3A_355 = vector.shape_cast %add3A_346 : vector<16xi32> to vector<1x16xi32>
      tpu.vector_store %arg13[%swap3A_351, %swap3A_352], %swap3A_355 {strides = array<i32>} : memref<2x4096xi32, #tpu.memory_space<vmem>>, vector<1x16xi32>,
      %add3A_356 = arith.constant 256 : i32
      %add3A_357 = vector.broadcast %add3A_356 : i32 to vector<16xi32>
      %add3A_358 = arith.addi %add3A_300, %add3A_357 : vector<16xi32>
      %add3A_359 = arith.constant 256 : i32
      %add3A_360 = arith.addi %shift_left3A_304, %add3A_359 : i32
      %add3A_361 = arith.addi %add3A_360, %shift_left3A_308 : i32
      %swap3A_362 = arith.constant 0 : i32
      %swap3A_363 = arith.index_cast %swap3A_362 : i32 to index
      %swap3A_364 = arith.index_cast %add3A_361 : i32 to index
      %swap3A_365 = tpu.vector_load %arg13[%swap3A_363, %swap3A_364] {strides = array<i32>} : memref<2x4096xi32, #tpu.memory_space<vmem>>, vector<1x16xi32>,
      %swap3A_366 = vector.shape_cast %swap3A_365 : vector<1x16xi32> to vector<16xi32>
      %swap3A_367 = vector.shape_cast %add3A_358 : vector<16xi32> to vector<1x16xi32>
      tpu.vector_store %arg13[%swap3A_363, %swap3A_364], %swap3A_367 {strides = array<i32>} : memref<2x4096xi32, #tpu.memory_space<vmem>>, vector<1x16xi32>,
      %add3A_368 = arith.constant 16000256 : i32
      %add3A_369 = vector.broadcast %add3A_368 : i32 to vector<16xi32>
      %add3A_370 = arith.addi %add3A_300, %add3A_369 : vector<16xi32>
      %add3A_371 = arith.constant 256 : i32
      %add3A_372 = arith.addi %shift_left3A_304, %add3A_371 : i32
      %add3A_373 = arith.addi %add3A_372, %shift_left3A_308 : i32
      %swap3A_374 = arith.constant 1 : i32
      %swap3A_375 = arith.index_cast %swap3A_374 : i32 to index
      %swap3A_376 = arith.index_cast %add3A_373 : i32 to index
      %swap3A_377 = tpu.vector_load %arg13[%swap3A_375, %swap3A_376] {strides = array<i32>} : memref<2x4096xi32, #tpu.memory_space<vmem>>, vector<1x16xi32>,
      %swap3A_378 = vector.shape_cast %swap3A_377 : vector<1x16xi32> to vector<16xi32>
      %swap3A_379 = vector.shape_cast %add3A_370 : vector<16xi32> to vector<1x16xi32>
      tpu.vector_store %arg13[%swap3A_375, %swap3A_376], %swap3A_379 {strides = array<i32>} : memref<2x4096xi32, #tpu.memory_space<vmem>>, vector<1x16xi32>,
      %add3A_380 = arith.constant 384 : i32
      %add3A_381 = vector.broadcast %add3A_380 : i32 to vector<16xi32>
      %add3A_382 = arith.addi %add3A_300, %add3A_381 : vector<16xi32>
      %add3A_383 = arith.constant 384 : i32
      %add3A_384 = arith.addi %shift_left3A_304, %add3A_383 : i32
      %add3A_385 = arith.addi %add3A_384, %shift_left3A_308 : i32
      %swap3A_386 = arith.constant 0 : i32
      %swap3A_387 = arith.index_cast %swap3A_386 : i32 to index
      %swap3A_388 = arith.index_cast %add3A_385 : i32 to index
      %swap3A_389 = tpu.vector_load %arg13[%swap3A_387, %swap3A_388] {strides = array<i32>} : memref<2x4096xi32, #tpu.memory_space<vmem>>, vector<1x16xi32>,
      %swap3A_390 = vector.shape_cast %swap3A_389 : vector<1x16xi32> to vector<16xi32>
      %swap3A_391 = vector.shape_cast %add3A_382 : vector<16xi32> to vector<1x16xi32>
      tpu.vector_store %arg13[%swap3A_387, %swap3A_388], %swap3A_391 {strides = array<i32>} : memref<2x4096xi32, #tpu.memory_space<vmem>>, vector<1x16xi32>,
      %add3A_392 = arith.constant 16000384 : i32
      %add3A_393 = vector.broadcast %add3A_392 : i32 to vector<16xi32>
      %add3A_394 = arith.addi %add3A_300, %add3A_393 : vector<16xi32>
      %add3A_395 = arith.constant 384 : i32
      %add3A_396 = arith.addi %shift_left3A_304, %add3A_395 : i32
      %add3A_397 = arith.addi %add3A_396, %shift_left3A_308 : i32
      %swap3A_398 = arith.constant 1 : i32
      %swap3A_399 = arith.index_cast %swap3A_398 : i32 to index
      %swap3A_400 = arith.index_cast %add3A_397 : i32 to index
      %swap3A_401 = tpu.vector_load %arg13[%swap3A_399, %swap3A_400] {strides = array<i32>} : memref<2x4096xi32, #tpu.memory_space<vmem>>, vector<1x16xi32>,
      %swap3A_402 = vector.shape_cast %swap3A_401 : vector<1x16xi32> to vector<16xi32>
      %swap3A_403 = vector.shape_cast %add3A_394 : vector<16xi32> to vector<1x16xi32>
      tpu.vector_store %arg13[%swap3A_399, %swap3A_400], %swap3A_403 {strides = array<i32>} : memref<2x4096xi32, #tpu.memory_space<vmem>>, vector<1x16xi32>,
      %add3A_404 = arith.constant 512 : i32
      %add3A_405 = vector.broadcast %add3A_404 : i32 to vector<16xi32>
      %add3A_406 = arith.addi %add3A_300, %add3A_405 : vector<16xi32>
      %add3A_407 = arith.constant 512 : i32
      %add3A_408 = arith.addi %shift_left3A_304, %add3A_407 : i32
      %add3A_409 = arith.addi %add3A_408, %shift_left3A_308 : i32
      %swap3A_410 = arith.constant 0 : i32
      %swap3A_411 = arith.index_cast %swap3A_410 : i32 to index
      %swap3A_412 = arith.index_cast %add3A_409 : i32 to index
      %swap3A_413 = tpu.vector_load %arg13[%swap3A_411, %swap3A_412] {strides = array<i32>} : memref<2x4096xi32, #tpu.memory_space<vmem>>, vector<1x16xi32>,
      %swap3A_414 = vector.shape_cast %swap3A_413 : vector<1x16xi32> to vector<16xi32>
      %swap3A_415 = vector.shape_cast %add3A_406 : vector<16xi32> to vector<1x16xi32>
      tpu.vector_store %arg13[%swap3A_411, %swap3A_412], %swap3A_415 {strides = array<i32>} : memref<2x4096xi32, #tpu.memory_space<vmem>>, vector<1x16xi32>,
      %add3A_416 = arith.constant 16000512 : i32
      %add3A_417 = vector.broadcast %add3A_416 : i32 to vector<16xi32>
      %add3A_418 = arith.addi %add3A_300, %add3A_417 : vector<16xi32>
      %add3A_419 = arith.constant 512 : i32
      %add3A_420 = arith.addi %shift_left3A_304, %add3A_419 : i32
      %add3A_421 = arith.addi %add3A_420, %shift_left3A_308 : i32
      %swap3A_422 = arith.constant 1 : i32
      %swap3A_423 = arith.index_cast %swap3A_422 : i32 to index
      %swap3A_424 = arith.index_cast %add3A_421 : i32 to index
      %swap3A_425 = tpu.vector_load %arg13[%swap3A_423, %swap3A_424] {strides = array<i32>} : memref<2x4096xi32, #tpu.memory_space<vmem>>, vector<1x16xi32>,
      %swap3A_426 = vector.shape_cast %swap3A_425 : vector<1x16xi32> to vector<16xi32>
      %swap3A_427 = vector.shape_cast %add3A_418 : vector<16xi32> to vector<1x16xi32>
      tpu.vector_store %arg13[%swap3A_423, %swap3A_424], %swap3A_427 {strides = array<i32>} : memref<2x4096xi32, #tpu.memory_space<vmem>>, vector<1x16xi32>,
      %add3A_428 = arith.constant 640 : i32
      %add3A_429 = vector.broadcast %add3A_428 : i32 to vector<16xi32>
      %add3A_430 = arith.addi %add3A_300, %add3A_429 : vector<16xi32>
      %add3A_431 = arith.constant 640 : i32
      %add3A_432 = arith.addi %shift_left3A_304, %add3A_431 : i32
      %add3A_433 = arith.addi %add3A_432, %shift_left3A_308 : i32
      %swap3A_434 = arith.constant 0 : i32
      %swap3A_435 = arith.index_cast %swap3A_434 : i32 to index
      %swap3A_436 = arith.index_cast %add3A_433 : i32 to index
      %swap3A_437 = tpu.vector_load %arg13[%swap3A_435, %swap3A_436] {strides = array<i32>} : memref<2x4096xi32, #tpu.memory_space<vmem>>, vector<1x16xi32>,
      %swap3A_438 = vector.shape_cast %swap3A_437 : vector<1x16xi32> to vector<16xi32>
      %swap3A_439 = vector.shape_cast %add3A_430 : vector<16xi32> to vector<1x16xi32>
      tpu.vector_store %arg13[%swap3A_435, %swap3A_436], %swap3A_439 {strides = array<i32>} : memref<2x4096xi32, #tpu.memory_space<vmem>>, vector<1x16xi32>,
      %add3A_440 = arith.constant 16000640 : i32
      %add3A_441 = vector.broadcast %add3A_440 : i32 to vector<16xi32>
      %add3A_442 = arith.addi %add3A_300, %add3A_441 : vector<16xi32>
      %add3A_443 = arith.constant 640 : i32
      %add3A_444 = arith.addi %shift_left3A_304, %add3A_443 : i32
      %add3A_445 = arith.addi %add3A_444, %shift_left3A_308 : i32
      %swap3A_446 = arith.constant 1 : i32
      %swap3A_447 = arith.index_cast %swap3A_446 : i32 to index
      %swap3A_448 = arith.index_cast %add3A_445 : i32 to index
      %swap3A_449 = tpu.vector_load %arg13[%swap3A_447, %swap3A_448] {strides = array<i32>} : memref<2x4096xi32, #tpu.memory_space<vmem>>, vector<1x16xi32>,
      %swap3A_450 = vector.shape_cast %swap3A_449 : vector<1x16xi32> to vector<16xi32>
      %swap3A_451 = vector.shape_cast %add3A_442 : vector<16xi32> to vector<1x16xi32>
      tpu.vector_store %arg13[%swap3A_447, %swap3A_448], %swap3A_451 {strides = array<i32>} : memref<2x4096xi32, #tpu.memory_space<vmem>>, vector<1x16xi32>,
      %add3A_452 = arith.constant 768 : i32
      %add3A_453 = vector.broadcast %add3A_452 : i32 to vector<16xi32>
      %add3A_454 = arith.addi %add3A_300, %add3A_453 : vector<16xi32>
      %add3A_455 = arith.constant 768 : i32
      %add3A_456 = arith.addi %shift_left3A_304, %add3A_455 : i32
      %add3A_457 = arith.addi %add3A_456, %shift_left3A_308 : i32
      %swap3A_458 = arith.constant 0 : i32
      %swap3A_459 = arith.index_cast %swap3A_458 : i32 to index
      %swap3A_460 = arith.index_cast %add3A_457 : i32 to index
      %swap3A_461 = tpu.vector_load %arg13[%swap3A_459, %swap3A_460] {strides = array<i32>} : memref<2x4096xi32, #tpu.memory_space<vmem>>, vector<1x16xi32>,
      %swap3A_462 = vector.shape_cast %swap3A_461 : vector<1x16xi32> to vector<16xi32>
      %swap3A_463 = vector.shape_cast %add3A_454 : vector<16xi32> to vector<1x16xi32>
      tpu.vector_store %arg13[%swap3A_459, %swap3A_460], %swap3A_463 {strides = array<i32>} : memref<2x4096xi32, #tpu.memory_space<vmem>>, vector<1x16xi32>,
      %add3A_464 = arith.constant 16000768 : i32
      %add3A_465 = vector.broadcast %add3A_464 : i32 to vector<16xi32>
      %add3A_466 = arith.addi %add3A_300, %add3A_465 : vector<16xi32>
      %add3A_467 = arith.constant 768 : i32
      %add3A_468 = arith.addi %shift_left3A_304, %add3A_467 : i32
      %add3A_469 = arith.addi %add3A_468, %shift_left3A_308 : i32
      %swap3A_470 = arith.constant 1 : i32
      %swap3A_471 = arith.index_cast %swap3A_470 : i32 to index
      %swap3A_472 = arith.index_cast %add3A_469 : i32 to index
      %swap3A_473 = tpu.vector_load %arg13[%swap3A_471, %swap3A_472] {strides = array<i32>} : memref<2x4096xi32, #tpu.memory_space<vmem>>, vector<1x16xi32>,
      %swap3A_474 = vector.shape_cast %swap3A_473 : vector<1x16xi32> to vector<16xi32>
      %swap3A_475 = vector.shape_cast %add3A_466 : vector<16xi32> to vector<1x16xi32>
      tpu.vector_store %arg13[%swap3A_471, %swap3A_472], %swap3A_475 {strides = array<i32>} : memref<2x4096xi32, #tpu.memory_space<vmem>>, vector<1x16xi32>,
      %add3A_476 = arith.constant 896 : i32
      %add3A_477 = vector.broadcast %add3A_476 : i32 to vector<16xi32>
      %add3A_478 = arith.addi %add3A_300, %add3A_477 : vector<16xi32>
      %add3A_479 = arith.constant 896 : i32
      %add3A_480 = arith.addi %shift_left3A_304, %add3A_479 : i32
      %add3A_481 = arith.addi %add3A_480, %shift_left3A_308 : i32
      %swap3A_482 = arith.constant 0 : i32
      %swap3A_483 = arith.index_cast %swap3A_482 : i32 to index
      %swap3A_484 = arith.index_cast %add3A_481 : i32 to index
      %swap3A_485 = tpu.vector_load %arg13[%swap3A_483, %swap3A_484] {strides = array<i32>} : memref<2x4096xi32, #tpu.memory_space<vmem>>, vector<1x16xi32>,
      %swap3A_486 = vector.shape_cast %swap3A_485 : vector<1x16xi32> to vector<16xi32>
      %swap3A_487 = vector.shape_cast %add3A_478 : vector<16xi32> to vector<1x16xi32>
      tpu.vector_store %arg13[%swap3A_483, %swap3A_484], %swap3A_487 {strides = array<i32>} : memref<2x4096xi32, #tpu.memory_space<vmem>>, vector<1x16xi32>,
      %add3A_488 = arith.constant 16000896 : i32
      %add3A_489 = vector.broadcast %add3A_488 : i32 to vector<16xi32>
      %add3A_490 = arith.addi %add3A_300, %add3A_489 : vector<16xi32>
      %add3A_491 = arith.constant 896 : i32
      %add3A_492 = arith.addi %shift_left3A_304, %add3A_491 : i32
      %add3A_493 = arith.addi %add3A_492, %shift_left3A_308 : i32
      %swap3A_494 = arith.constant 1 : i32
      %swap3A_495 = arith.index_cast %swap3A_494 : i32 to index
      %swap3A_496 = arith.index_cast %add3A_493 : i32 to index
      %swap3A_497 = tpu.vector_load %arg13[%swap3A_495, %swap3A_496] {strides = array<i32>} : memref<2x4096xi32, #tpu.memory_space<vmem>>, vector<1x16xi32>,
      %swap3A_498 = vector.shape_cast %swap3A_497 : vector<1x16xi32> to vector<16xi32>
      %swap3A_499 = vector.shape_cast %add3A_490 : vector<16xi32> to vector<1x16xi32>
      tpu.vector_store %arg13[%swap3A_495, %swap3A_496], %swap3A_499 {strides = array<i32>} : memref<2x4096xi32, #tpu.memory_space<vmem>>, vector<1x16xi32>,
      %scan3A_500 = arith.constant 0 : i32
      scf.yield %scan3A_500 : i32
    }
    %scan3A_43 = arith.constant 32 : i32
    %dma_start3A_44 = arith.constant 0 : i32
    %dma_start3A_45 = arith.constant 0 : i32
    %dma_start3A_46 = arith.constant 0 : i32
    %dma_start3A_47 = tpu.memref_slice %arg16[%dma_start3A_45, %dma_start3A_46] : memref<2x4096xf32, #tpu.memory_space<vmem>> -> memref<1x4096xf32, #tpu.memory_space<vmem>>
    %dma_start3A_48 = tpu.memref_squeeze %dma_start3A_47 : memref<1x4096xf32, #tpu.memory_space<vmem>> -> memref<4096xf32, #tpu.memory_space<vmem>>
    %dma_start3A_49 = arith.constant 0 : i32
    %dma_start3A_50 = tpu.memref_slice %arg13[%dma_start3A_44, %dma_start3A_49] : memref<2x4096xi32, #tpu.memory_space<vmem>> -> memref<1x4096xi32, #tpu.memory_space<vmem>>
    %dma_start3A_51 = tpu.memref_squeeze %dma_start3A_50 : memref<1x4096xi32, #tpu.memory_space<vmem>> -> memref<4096xi32, #tpu.memory_space<vmem>>
    %dma_start3A_52 = arith.constant 0 : i32
    %dma_start3A_53 = tpu.memref_slice %arg5[%dma_start3A_52] : memref<32000000xf32, #tpu.memory_space<hbm>> -> memref<32000000xf32, #tpu.memory_space<hbm>>
    tpu.enqueue_indirect_dma source(%dma_start3A_53 : memref<32000000xf32, #tpu.memory_space<hbm>>) target(%dma_start3A_48 : memref<4096xf32, #tpu.memory_space<vmem>>) offsets(%dma_start3A_51 : memref<4096xi32, #tpu.memory_space<vmem>>) semaphore(%arg18 : memref<!tpu.dma_semaphore, #tpu.memory_space<semaphore_mem>>)
    %dma_start3A_54 = arith.constant 1 : i32
    %dma_start3A_55 = arith.constant 1 : i32
    %dma_start3A_56 = arith.constant 0 : i32
    %dma_start3A_57 = tpu.memref_slice %arg16[%dma_start3A_55, %dma_start3A_56] : memref<2x4096xf32, #tpu.memory_space<vmem>> -> memref<1x4096xf32, #tpu.memory_space<vmem>>
    %dma_start3A_58 = tpu.memref_squeeze %dma_start3A_57 : memref<1x4096xf32, #tpu.memory_space<vmem>> -> memref<4096xf32, #tpu.memory_space<vmem>>
    %dma_start3A_59 = arith.constant 0 : i32
    %dma_start3A_60 = tpu.memref_slice %arg13[%dma_start3A_54, %dma_start3A_59] : memref<2x4096xi32, #tpu.memory_space<vmem>> -> memref<1x4096xi32, #tpu.memory_space<vmem>>
    %dma_start3A_61 = tpu.memref_squeeze %dma_start3A_60 : memref<1x4096xi32, #tpu.memory_space<vmem>> -> memref<4096xi32, #tpu.memory_space<vmem>>
    %dma_start3A_62 = arith.constant 0 : i32
    %dma_start3A_63 = tpu.memref_slice %arg5[%dma_start3A_62] : memref<32000000xf32, #tpu.memory_space<hbm>> -> memref<32000000xf32, #tpu.memory_space<hbm>>
    tpu.enqueue_indirect_dma source(%dma_start3A_63 : memref<32000000xf32, #tpu.memory_space<hbm>>) target(%dma_start3A_58 : memref<4096xf32, #tpu.memory_space<vmem>>) offsets(%dma_start3A_61 : memref<4096xi32, #tpu.memory_space<vmem>>) semaphore(%arg18 : memref<!tpu.dma_semaphore, #tpu.memory_space<semaphore_mem>>)
    %dma_wait3A_64 = tpu.memref_slice %arg4[%mul3A_2] : memref<16384xi32, #tpu.memory_space<hbm>> -> memref<512xi32, #tpu.memory_space<hbm>>
    %dma_wait3A_65 = tpu.memref_slice %arg4[%mul3A_2] : memref<16384xi32, #tpu.memory_space<hbm>> -> memref<512xi32, #tpu.memory_space<hbm>>
    tpu.wait_dma2 semaphore(%arg19 : memref<!tpu.dma_semaphore, #tpu.memory_space<semaphore_mem>>) src(%dma_wait3A_65 : memref<512xi32, #tpu.memory_space<hbm>>) dst(%arg11 : memref<512xi32, #tpu.memory_space<vmem>>)
    %scan3A_66 = arith.constant 0 : i32
    %scan3A_67 = arith.constant 0 : i32
    %scan3A_68 = arith.constant 32 : i32
    %scan3A_69 = arith.addi %scan3A_67, %scan3A_68 : i32
    %scan3A_70 = arith.constant 1 : i32
    %scan3A_71 = scf.for %scan3A_285 = %scan3A_67 to %scan3A_69 step %scan3A_70 iter_args(%scan3A_286 = %scan3A_66) -> (i32)  : i32 {
      %mul3A_287 = arith.constant 16 : i32
      %mul3A_288 = arith.muli %scan3A_285, %mul3A_287 : i32
      %get3A = arith.index_cast %mul3A_288 : i32 to index
      %get3A_289 = tpu.vector_load %arg11[%get3A] {strides = array<i32>} : memref<512xi32, #tpu.memory_space<vmem>>, vector<16xi32>,
      %get3A_290 = vector.shape_cast %get3A_289 : vector<16xi32> to vector<16xi32>
      %add3A_291 = arith.constant 1000000 : i32
      %add3A_292 = vector.broadcast %add3A_291 : i32 to vector<16xi32>
      %add3A_293 = arith.addi %get3A_290, %add3A_292 : vector<16xi32>
      %shift_right_arithmetic3A = arith.constant 7 : i32
      %shift_right_arithmetic3A_294 = vector.broadcast %shift_right_arithmetic3A : i32 to vector<16xi32>
      %shift_right_arithmetic3A_295 = arith.shrsi %add3A_293, %shift_right_arithmetic3A_294 : vector<16xi32>
      %shift_left3A = arith.constant 10 : i32
      %shift_left3A_296 = vector.broadcast %shift_left3A : i32 to vector<16xi32>
      %shift_left3A_297 = arith.shli %shift_right_arithmetic3A_295, %shift_left3A_296 : vector<16xi32>
      %and3A = arith.constant 127 : i32
      %and3A_298 = vector.broadcast %and3A : i32 to vector<16xi32>
      %and3A_299 = arith.andi %add3A_293, %and3A_298 : vector<16xi32>
      %add3A_300 = arith.addi %shift_left3A_297, %and3A_299 : vector<16xi32>
      %shift_right_arithmetic3A_301 = arith.constant 3 : i32
      %shift_right_arithmetic3A_302 = arith.shrsi %scan3A_285, %shift_right_arithmetic3A_301 : i32
      %shift_left3A_303 = arith.constant 10 : i32
      %shift_left3A_304 = arith.shli %shift_right_arithmetic3A_302, %shift_left3A_303 : i32
      %and3A_305 = arith.constant 7 : i32
      %and3A_306 = arith.andi %scan3A_285, %and3A_305 : i32
      %shift_left3A_307 = arith.constant 4 : i32
      %shift_left3A_308 = arith.shli %and3A_306, %shift_left3A_307 : i32
      %add3A_309 = arith.constant 0 : i32
      %add3A_310 = vector.broadcast %add3A_309 : i32 to vector<16xi32>
      %add3A_311 = arith.addi %add3A_300, %add3A_310 : vector<16xi32>
      %add3A_312 = arith.constant 0 : i32
      %add3A_313 = arith.addi %shift_left3A_304, %add3A_312 : i32
      %add3A_314 = arith.addi %add3A_313, %shift_left3A_308 : i32
      %swap3A = arith.constant 0 : i32
      %swap3A_315 = arith.index_cast %swap3A : i32 to index
      %swap3A_316 = arith.index_cast %add3A_314 : i32 to index
      %swap3A_317 = tpu.vector_load %arg14[%swap3A_315, %swap3A_316] {strides = array<i32>} : memref<2x4096xi32, #tpu.memory_space<vmem>>, vector<1x16xi32>,
      %swap3A_318 = vector.shape_cast %swap3A_317 : vector<1x16xi32> to vector<16xi32>
      %swap3A_319 = vector.shape_cast %add3A_311 : vector<16xi32> to vector<1x16xi32>
      tpu.vector_store %arg14[%swap3A_315, %swap3A_316], %swap3A_319 {strides = array<i32>} : memref<2x4096xi32, #tpu.memory_space<vmem>>, vector<1x16xi32>,
      %add3A_320 = arith.constant 16000000 : i32
      %add3A_321 = vector.broadcast %add3A_320 : i32 to vector<16xi32>
      %add3A_322 = arith.addi %add3A_300, %add3A_321 : vector<16xi32>
      %add3A_323 = arith.constant 0 : i32
      %add3A_324 = arith.addi %shift_left3A_304, %add3A_323 : i32
      %add3A_325 = arith.addi %add3A_324, %shift_left3A_308 : i32
      %swap3A_326 = arith.constant 1 : i32
      %swap3A_327 = arith.index_cast %swap3A_326 : i32 to index
      %swap3A_328 = arith.index_cast %add3A_325 : i32 to index
      %swap3A_329 = tpu.vector_load %arg14[%swap3A_327, %swap3A_328] {strides = array<i32>} : memref<2x4096xi32, #tpu.memory_space<vmem>>, vector<1x16xi32>,
      %swap3A_330 = vector.shape_cast %swap3A_329 : vector<1x16xi32> to vector<16xi32>
      %swap3A_331 = vector.shape_cast %add3A_322 : vector<16xi32> to vector<1x16xi32>
      tpu.vector_store %arg14[%swap3A_327, %swap3A_328], %swap3A_331 {strides = array<i32>} : memref<2x4096xi32, #tpu.memory_space<vmem>>, vector<1x16xi32>,
      %add3A_332 = arith.constant 128 : i32
      %add3A_333 = vector.broadcast %add3A_332 : i32 to vector<16xi32>
      %add3A_334 = arith.addi %add3A_300, %add3A_333 : vector<16xi32>
      %add3A_335 = arith.constant 128 : i32
      %add3A_336 = arith.addi %shift_left3A_304, %add3A_335 : i32
      %add3A_337 = arith.addi %add3A_336, %shift_left3A_308 : i32
      %swap3A_338 = arith.constant 0 : i32
      %swap3A_339 = arith.index_cast %swap3A_338 : i32 to index
      %swap3A_340 = arith.index_cast %add3A_337 : i32 to index
      %swap3A_341 = tpu.vector_load %arg14[%swap3A_339, %swap3A_340] {strides = array<i32>} : memref<2x4096xi32, #tpu.memory_space<vmem>>, vector<1x16xi32>,
      %swap3A_342 = vector.shape_cast %swap3A_341 : vector<1x16xi32> to vector<16xi32>
      %swap3A_343 = vector.shape_cast %add3A_334 : vector<16xi32> to vector<1x16xi32>
      tpu.vector_store %arg14[%swap3A_339, %swap3A_340], %swap3A_343 {strides = array<i32>} : memref<2x4096xi32, #tpu.memory_space<vmem>>, vector<1x16xi32>,
      %add3A_344 = arith.constant 16000128 : i32
      %add3A_345 = vector.broadcast %add3A_344 : i32 to vector<16xi32>
      %add3A_346 = arith.addi %add3A_300, %add3A_345 : vector<16xi32>
      %add3A_347 = arith.constant 128 : i32
      %add3A_348 = arith.addi %shift_left3A_304, %add3A_347 : i32
      %add3A_349 = arith.addi %add3A_348, %shift_left3A_308 : i32
      %swap3A_350 = arith.constant 1 : i32
      %swap3A_351 = arith.index_cast %swap3A_350 : i32 to index
      %swap3A_352 = arith.index_cast %add3A_349 : i32 to index
      %swap3A_353 = tpu.vector_load %arg14[%swap3A_351, %swap3A_352] {strides = array<i32>} : memref<2x4096xi32, #tpu.memory_space<vmem>>, vector<1x16xi32>,
      %swap3A_354 = vector.shape_cast %swap3A_353 : vector<1x16xi32> to vector<16xi32>
      %swap3A_355 = vector.shape_cast %add3A_346 : vector<16xi32> to vector<1x16xi32>
      tpu.vector_store %arg14[%swap3A_351, %swap3A_352], %swap3A_355 {strides = array<i32>} : memref<2x4096xi32, #tpu.memory_space<vmem>>, vector<1x16xi32>,
      %add3A_356 = arith.constant 256 : i32
      %add3A_357 = vector.broadcast %add3A_356 : i32 to vector<16xi32>
      %add3A_358 = arith.addi %add3A_300, %add3A_357 : vector<16xi32>
      %add3A_359 = arith.constant 256 : i32
      %add3A_360 = arith.addi %shift_left3A_304, %add3A_359 : i32
      %add3A_361 = arith.addi %add3A_360, %shift_left3A_308 : i32
      %swap3A_362 = arith.constant 0 : i32
      %swap3A_363 = arith.index_cast %swap3A_362 : i32 to index
      %swap3A_364 = arith.index_cast %add3A_361 : i32 to index
      %swap3A_365 = tpu.vector_load %arg14[%swap3A_363, %swap3A_364] {strides = array<i32>} : memref<2x4096xi32, #tpu.memory_space<vmem>>, vector<1x16xi32>,
      %swap3A_366 = vector.shape_cast %swap3A_365 : vector<1x16xi32> to vector<16xi32>
      %swap3A_367 = vector.shape_cast %add3A_358 : vector<16xi32> to vector<1x16xi32>
      tpu.vector_store %arg14[%swap3A_363, %swap3A_364], %swap3A_367 {strides = array<i32>} : memref<2x4096xi32, #tpu.memory_space<vmem>>, vector<1x16xi32>,
      %add3A_368 = arith.constant 16000256 : i32
      %add3A_369 = vector.broadcast %add3A_368 : i32 to vector<16xi32>
      %add3A_370 = arith.addi %add3A_300, %add3A_369 : vector<16xi32>
      %add3A_371 = arith.constant 256 : i32
      %add3A_372 = arith.addi %shift_left3A_304, %add3A_371 : i32
      %add3A_373 = arith.addi %add3A_372, %shift_left3A_308 : i32
      %swap3A_374 = arith.constant 1 : i32
      %swap3A_375 = arith.index_cast %swap3A_374 : i32 to index
      %swap3A_376 = arith.index_cast %add3A_373 : i32 to index
      %swap3A_377 = tpu.vector_load %arg14[%swap3A_375, %swap3A_376] {strides = array<i32>} : memref<2x4096xi32, #tpu.memory_space<vmem>>, vector<1x16xi32>,
      %swap3A_378 = vector.shape_cast %swap3A_377 : vector<1x16xi32> to vector<16xi32>
      %swap3A_379 = vector.shape_cast %add3A_370 : vector<16xi32> to vector<1x16xi32>
      tpu.vector_store %arg14[%swap3A_375, %swap3A_376], %swap3A_379 {strides = array<i32>} : memref<2x4096xi32, #tpu.memory_space<vmem>>, vector<1x16xi32>,
      %add3A_380 = arith.constant 384 : i32
      %add3A_381 = vector.broadcast %add3A_380 : i32 to vector<16xi32>
      %add3A_382 = arith.addi %add3A_300, %add3A_381 : vector<16xi32>
      %add3A_383 = arith.constant 384 : i32
      %add3A_384 = arith.addi %shift_left3A_304, %add3A_383 : i32
      %add3A_385 = arith.addi %add3A_384, %shift_left3A_308 : i32
      %swap3A_386 = arith.constant 0 : i32
      %swap3A_387 = arith.index_cast %swap3A_386 : i32 to index
      %swap3A_388 = arith.index_cast %add3A_385 : i32 to index
      %swap3A_389 = tpu.vector_load %arg14[%swap3A_387, %swap3A_388] {strides = array<i32>} : memref<2x4096xi32, #tpu.memory_space<vmem>>, vector<1x16xi32>,
      %swap3A_390 = vector.shape_cast %swap3A_389 : vector<1x16xi32> to vector<16xi32>
      %swap3A_391 = vector.shape_cast %add3A_382 : vector<16xi32> to vector<1x16xi32>
      tpu.vector_store %arg14[%swap3A_387, %swap3A_388], %swap3A_391 {strides = array<i32>} : memref<2x4096xi32, #tpu.memory_space<vmem>>, vector<1x16xi32>,
      %add3A_392 = arith.constant 16000384 : i32
      %add3A_393 = vector.broadcast %add3A_392 : i32 to vector<16xi32>
      %add3A_394 = arith.addi %add3A_300, %add3A_393 : vector<16xi32>
      %add3A_395 = arith.constant 384 : i32
      %add3A_396 = arith.addi %shift_left3A_304, %add3A_395 : i32
      %add3A_397 = arith.addi %add3A_396, %shift_left3A_308 : i32
      %swap3A_398 = arith.constant 1 : i32
      %swap3A_399 = arith.index_cast %swap3A_398 : i32 to index
      %swap3A_400 = arith.index_cast %add3A_397 : i32 to index
      %swap3A_401 = tpu.vector_load %arg14[%swap3A_399, %swap3A_400] {strides = array<i32>} : memref<2x4096xi32, #tpu.memory_space<vmem>>, vector<1x16xi32>,
      %swap3A_402 = vector.shape_cast %swap3A_401 : vector<1x16xi32> to vector<16xi32>
      %swap3A_403 = vector.shape_cast %add3A_394 : vector<16xi32> to vector<1x16xi32>
      tpu.vector_store %arg14[%swap3A_399, %swap3A_400], %swap3A_403 {strides = array<i32>} : memref<2x4096xi32, #tpu.memory_space<vmem>>, vector<1x16xi32>,
      %add3A_404 = arith.constant 512 : i32
      %add3A_405 = vector.broadcast %add3A_404 : i32 to vector<16xi32>
      %add3A_406 = arith.addi %add3A_300, %add3A_405 : vector<16xi32>
      %add3A_407 = arith.constant 512 : i32
      %add3A_408 = arith.addi %shift_left3A_304, %add3A_407 : i32
      %add3A_409 = arith.addi %add3A_408, %shift_left3A_308 : i32
      %swap3A_410 = arith.constant 0 : i32
      %swap3A_411 = arith.index_cast %swap3A_410 : i32 to index
      %swap3A_412 = arith.index_cast %add3A_409 : i32 to index
      %swap3A_413 = tpu.vector_load %arg14[%swap3A_411, %swap3A_412] {strides = array<i32>} : memref<2x4096xi32, #tpu.memory_space<vmem>>, vector<1x16xi32>,
      %swap3A_414 = vector.shape_cast %swap3A_413 : vector<1x16xi32> to vector<16xi32>
      %swap3A_415 = vector.shape_cast %add3A_406 : vector<16xi32> to vector<1x16xi32>
      tpu.vector_store %arg14[%swap3A_411, %swap3A_412], %swap3A_415 {strides = array<i32>} : memref<2x4096xi32, #tpu.memory_space<vmem>>, vector<1x16xi32>,
      %add3A_416 = arith.constant 16000512 : i32
      %add3A_417 = vector.broadcast %add3A_416 : i32 to vector<16xi32>
      %add3A_418 = arith.addi %add3A_300, %add3A_417 : vector<16xi32>
      %add3A_419 = arith.constant 512 : i32
      %add3A_420 = arith.addi %shift_left3A_304, %add3A_419 : i32
      %add3A_421 = arith.addi %add3A_420, %shift_left3A_308 : i32
      %swap3A_422 = arith.constant 1 : i32
      %swap3A_423 = arith.index_cast %swap3A_422 : i32 to index
      %swap3A_424 = arith.index_cast %add3A_421 : i32 to index
      %swap3A_425 = tpu.vector_load %arg14[%swap3A_423, %swap3A_424] {strides = array<i32>} : memref<2x4096xi32, #tpu.memory_space<vmem>>, vector<1x16xi32>,
      %swap3A_426 = vector.shape_cast %swap3A_425 : vector<1x16xi32> to vector<16xi32>
      %swap3A_427 = vector.shape_cast %add3A_418 : vector<16xi32> to vector<1x16xi32>
      tpu.vector_store %arg14[%swap3A_423, %swap3A_424], %swap3A_427 {strides = array<i32>} : memref<2x4096xi32, #tpu.memory_space<vmem>>, vector<1x16xi32>,
      %add3A_428 = arith.constant 640 : i32
      %add3A_429 = vector.broadcast %add3A_428 : i32 to vector<16xi32>
      %add3A_430 = arith.addi %add3A_300, %add3A_429 : vector<16xi32>
      %add3A_431 = arith.constant 640 : i32
      %add3A_432 = arith.addi %shift_left3A_304, %add3A_431 : i32
      %add3A_433 = arith.addi %add3A_432, %shift_left3A_308 : i32
      %swap3A_434 = arith.constant 0 : i32
      %swap3A_435 = arith.index_cast %swap3A_434 : i32 to index
      %swap3A_436 = arith.index_cast %add3A_433 : i32 to index
      %swap3A_437 = tpu.vector_load %arg14[%swap3A_435, %swap3A_436] {strides = array<i32>} : memref<2x4096xi32, #tpu.memory_space<vmem>>, vector<1x16xi32>,
      %swap3A_438 = vector.shape_cast %swap3A_437 : vector<1x16xi32> to vector<16xi32>
      %swap3A_439 = vector.shape_cast %add3A_430 : vector<16xi32> to vector<1x16xi32>
      tpu.vector_store %arg14[%swap3A_435, %swap3A_436], %swap3A_439 {strides = array<i32>} : memref<2x4096xi32, #tpu.memory_space<vmem>>, vector<1x16xi32>,
      %add3A_440 = arith.constant 16000640 : i32
      %add3A_441 = vector.broadcast %add3A_440 : i32 to vector<16xi32>
      %add3A_442 = arith.addi %add3A_300, %add3A_441 : vector<16xi32>
      %add3A_443 = arith.constant 640 : i32
      %add3A_444 = arith.addi %shift_left3A_304, %add3A_443 : i32
      %add3A_445 = arith.addi %add3A_444, %shift_left3A_308 : i32
      %swap3A_446 = arith.constant 1 : i32
      %swap3A_447 = arith.index_cast %swap3A_446 : i32 to index
      %swap3A_448 = arith.index_cast %add3A_445 : i32 to index
      %swap3A_449 = tpu.vector_load %arg14[%swap3A_447, %swap3A_448] {strides = array<i32>} : memref<2x4096xi32, #tpu.memory_space<vmem>>, vector<1x16xi32>,
      %swap3A_450 = vector.shape_cast %swap3A_449 : vector<1x16xi32> to vector<16xi32>
      %swap3A_451 = vector.shape_cast %add3A_442 : vector<16xi32> to vector<1x16xi32>
      tpu.vector_store %arg14[%swap3A_447, %swap3A_448], %swap3A_451 {strides = array<i32>} : memref<2x4096xi32, #tpu.memory_space<vmem>>, vector<1x16xi32>,
      %add3A_452 = arith.constant 768 : i32
      %add3A_453 = vector.broadcast %add3A_452 : i32 to vector<16xi32>
      %add3A_454 = arith.addi %add3A_300, %add3A_453 : vector<16xi32>
      %add3A_455 = arith.constant 768 : i32
      %add3A_456 = arith.addi %shift_left3A_304, %add3A_455 : i32
      %add3A_457 = arith.addi %add3A_456, %shift_left3A_308 : i32
      %swap3A_458 = arith.constant 0 : i32
      %swap3A_459 = arith.index_cast %swap3A_458 : i32 to index
      %swap3A_460 = arith.index_cast %add3A_457 : i32 to index
      %swap3A_461 = tpu.vector_load %arg14[%swap3A_459, %swap3A_460] {strides = array<i32>} : memref<2x4096xi32, #tpu.memory_space<vmem>>, vector<1x16xi32>,
      %swap3A_462 = vector.shape_cast %swap3A_461 : vector<1x16xi32> to vector<16xi32>
      %swap3A_463 = vector.shape_cast %add3A_454 : vector<16xi32> to vector<1x16xi32>
      tpu.vector_store %arg14[%swap3A_459, %swap3A_460], %swap3A_463 {strides = array<i32>} : memref<2x4096xi32, #tpu.memory_space<vmem>>, vector<1x16xi32>,
      %add3A_464 = arith.constant 16000768 : i32
      %add3A_465 = vector.broadcast %add3A_464 : i32 to vector<16xi32>
      %add3A_466 = arith.addi %add3A_300, %add3A_465 : vector<16xi32>
      %add3A_467 = arith.constant 768 : i32
      %add3A_468 = arith.addi %shift_left3A_304, %add3A_467 : i32
      %add3A_469 = arith.addi %add3A_468, %shift_left3A_308 : i32
      %swap3A_470 = arith.constant 1 : i32
      %swap3A_471 = arith.index_cast %swap3A_470 : i32 to index
      %swap3A_472 = arith.index_cast %add3A_469 : i32 to index
      %swap3A_473 = tpu.vector_load %arg14[%swap3A_471, %swap3A_472] {strides = array<i32>} : memref<2x4096xi32, #tpu.memory_space<vmem>>, vector<1x16xi32>,
      %swap3A_474 = vector.shape_cast %swap3A_473 : vector<1x16xi32> to vector<16xi32>
      %swap3A_475 = vector.shape_cast %add3A_466 : vector<16xi32> to vector<1x16xi32>
      tpu.vector_store %arg14[%swap3A_471, %swap3A_472], %swap3A_475 {strides = array<i32>} : memref<2x4096xi32, #tpu.memory_space<vmem>>, vector<1x16xi32>,
      %add3A_476 = arith.constant 896 : i32
      %add3A_477 = vector.broadcast %add3A_476 : i32 to vector<16xi32>
      %add3A_478 = arith.addi %add3A_300, %add3A_477 : vector<16xi32>
      %add3A_479 = arith.constant 896 : i32
      %add3A_480 = arith.addi %shift_left3A_304, %add3A_479 : i32
      %add3A_481 = arith.addi %add3A_480, %shift_left3A_308 : i32
      %swap3A_482 = arith.constant 0 : i32
      %swap3A_483 = arith.index_cast %swap3A_482 : i32 to index
      %swap3A_484 = arith.index_cast %add3A_481 : i32 to index
      %swap3A_485 = tpu.vector_load %arg14[%swap3A_483, %swap3A_484] {strides = array<i32>} : memref<2x4096xi32, #tpu.memory_space<vmem>>, vector<1x16xi32>,
      %swap3A_486 = vector.shape_cast %swap3A_485 : vector<1x16xi32> to vector<16xi32>
      %swap3A_487 = vector.shape_cast %add3A_478 : vector<16xi32> to vector<1x16xi32>
      tpu.vector_store %arg14[%swap3A_483, %swap3A_484], %swap3A_487 {strides = array<i32>} : memref<2x4096xi32, #tpu.memory_space<vmem>>, vector<1x16xi32>,
      %add3A_488 = arith.constant 16000896 : i32
      %add3A_489 = vector.broadcast %add3A_488 : i32 to vector<16xi32>
      %add3A_490 = arith.addi %add3A_300, %add3A_489 : vector<16xi32>
      %add3A_491 = arith.constant 896 : i32
      %add3A_492 = arith.addi %shift_left3A_304, %add3A_491 : i32
      %add3A_493 = arith.addi %add3A_492, %shift_left3A_308 : i32
      %swap3A_494 = arith.constant 1 : i32
      %swap3A_495 = arith.index_cast %swap3A_494 : i32 to index
      %swap3A_496 = arith.index_cast %add3A_493 : i32 to index
      %swap3A_497 = tpu.vector_load %arg14[%swap3A_495, %swap3A_496] {strides = array<i32>} : memref<2x4096xi32, #tpu.memory_space<vmem>>, vector<1x16xi32>,
      %swap3A_498 = vector.shape_cast %swap3A_497 : vector<1x16xi32> to vector<16xi32>
      %swap3A_499 = vector.shape_cast %add3A_490 : vector<16xi32> to vector<1x16xi32>
      tpu.vector_store %arg14[%swap3A_495, %swap3A_496], %swap3A_499 {strides = array<i32>} : memref<2x4096xi32, #tpu.memory_space<vmem>>, vector<1x16xi32>,
      %scan3A_500 = arith.constant 0 : i32
      scf.yield %scan3A_500 : i32
    }
    %scan3A_72 = arith.constant 32 : i32
    %dma_start3A_73 = arith.constant 0 : i32
    %dma_start3A_74 = arith.constant 0 : i32
    %dma_start3A_75 = arith.constant 0 : i32
    %dma_start3A_76 = tpu.memref_slice %arg17[%dma_start3A_74, %dma_start3A_75] : memref<2x4096xf32, #tpu.memory_space<vmem>> -> memref<1x4096xf32, #tpu.memory_space<vmem>>
    %dma_start3A_77 = tpu.memref_squeeze %dma_start3A_76 : memref<1x4096xf32, #tpu.memory_space<vmem>> -> memref<4096xf32, #tpu.memory_space<vmem>>
    %dma_start3A_78 = arith.constant 0 : i32
    %dma_start3A_79 = tpu.memref_slice %arg14[%dma_start3A_73, %dma_start3A_78] : memref<2x4096xi32, #tpu.memory_space<vmem>> -> memref<1x4096xi32, #tpu.memory_space<vmem>>
    %dma_start3A_80 = tpu.memref_squeeze %dma_start3A_79 : memref<1x4096xi32, #tpu.memory_space<vmem>> -> memref<4096xi32, #tpu.memory_space<vmem>>
    %dma_start3A_81 = arith.constant 0 : i32
    %dma_start3A_82 = tpu.memref_slice %arg5[%dma_start3A_81] : memref<32000000xf32, #tpu.memory_space<hbm>> -> memref<32000000xf32, #tpu.memory_space<hbm>>
    tpu.enqueue_indirect_dma source(%dma_start3A_82 : memref<32000000xf32, #tpu.memory_space<hbm>>) target(%dma_start3A_77 : memref<4096xf32, #tpu.memory_space<vmem>>) offsets(%dma_start3A_80 : memref<4096xi32, #tpu.memory_space<vmem>>) semaphore(%arg18 : memref<!tpu.dma_semaphore, #tpu.memory_space<semaphore_mem>>)
    %dma_start3A_83 = arith.constant 1 : i32
    %dma_start3A_84 = arith.constant 1 : i32
    %dma_start3A_85 = arith.constant 0 : i32
    %dma_start3A_86 = tpu.memref_slice %arg17[%dma_start3A_84, %dma_start3A_85] : memref<2x4096xf32, #tpu.memory_space<vmem>> -> memref<1x4096xf32, #tpu.memory_space<vmem>>
    %dma_start3A_87 = tpu.memref_squeeze %dma_start3A_86 : memref<1x4096xf32, #tpu.memory_space<vmem>> -> memref<4096xf32, #tpu.memory_space<vmem>>
    %dma_start3A_88 = arith.constant 0 : i32
    %dma_start3A_89 = tpu.memref_slice %arg14[%dma_start3A_83, %dma_start3A_88] : memref<2x4096xi32, #tpu.memory_space<vmem>> -> memref<1x4096xi32, #tpu.memory_space<vmem>>
    %dma_start3A_90 = tpu.memref_squeeze %dma_start3A_89 : memref<1x4096xi32, #tpu.memory_space<vmem>> -> memref<4096xi32, #tpu.memory_space<vmem>>
    %dma_start3A_91 = arith.constant 0 : i32
    %dma_start3A_92 = tpu.memref_slice %arg5[%dma_start3A_91] : memref<32000000xf32, #tpu.memory_space<hbm>> -> memref<32000000xf32, #tpu.memory_space<hbm>>
    tpu.enqueue_indirect_dma source(%dma_start3A_92 : memref<32000000xf32, #tpu.memory_space<hbm>>) target(%dma_start3A_87 : memref<4096xf32, #tpu.memory_space<vmem>>) offsets(%dma_start3A_90 : memref<4096xi32, #tpu.memory_space<vmem>>) semaphore(%arg18 : memref<!tpu.dma_semaphore, #tpu.memory_space<semaphore_mem>>)
    %dma_wait3A_93 = arith.constant 0 : i32
    %dma_wait3A_94 = arith.constant 0 : i32
    %dma_wait3A_95 = arith.constant 0 : i32
    %dma_wait3A_96 = tpu.memref_slice %arg15[%dma_wait3A_94, %dma_wait3A_95] : memref<2x4096xf32, #tpu.memory_space<vmem>> -> memref<1x4096xf32, #tpu.memory_space<vmem>>
    %dma_wait3A_97 = tpu.memref_squeeze %dma_wait3A_96 : memref<1x4096xf32, #tpu.memory_space<vmem>> -> memref<4096xf32, #tpu.memory_space<vmem>>
    %dma_wait3A_98 = arith.constant 0 : i32
    %dma_wait3A_99 = tpu.memref_slice %arg12[%dma_wait3A_93, %dma_wait3A_98] : memref<2x4096xi32, #tpu.memory_space<vmem>> -> memref<1x4096xi32, #tpu.memory_space<vmem>>
    %dma_wait3A_100 = tpu.memref_squeeze %dma_wait3A_99 : memref<1x4096xi32, #tpu.memory_space<vmem>> -> memref<4096xi32, #tpu.memory_space<vmem>>
    %dma_wait3A_101 = arith.constant 0 : i32
    %dma_wait3A_102 = tpu.memref_slice %arg5[%dma_wait3A_101] : memref<32000000xf32, #tpu.memory_space<hbm>> -> memref<32000000xf32, #tpu.memory_space<hbm>>
    tpu.wait_indirect_dma semaphore(%arg18 : memref<!tpu.dma_semaphore, #tpu.memory_space<semaphore_mem>>) src(%dma_wait3A_102 : memref<32000000xf32, #tpu.memory_space<hbm>>) dst(%dma_wait3A_97 : memref<4096xf32, #tpu.memory_space<vmem>>)
    %mul3A_103 = arith.constant 4096 : i32
    %mul3A_104 = arith.muli %add3A, %mul3A_103 : i32
    %add3A_105 = arith.constant 0 : i32
    %add3A_106 = arith.addi %add3A_105, %mul3A_104 : i32
    %dma_start3A_107 = arith.constant 0 : i32
    %dma_start3A_108 = arith.constant 0 : i32
    %dma_start3A_109 = tpu.memref_slice %arg15[%dma_start3A_107, %dma_start3A_108] : memref<2x4096xf32, #tpu.memory_space<vmem>> -> memref<1x4096xf32, #tpu.memory_space<vmem>>
    %dma_start3A_110 = tpu.memref_squeeze %dma_start3A_109 : memref<1x4096xf32, #tpu.memory_space<vmem>> -> memref<4096xf32, #tpu.memory_space<vmem>>
    %dma_start3A_111 = tpu.memref_slice %arg6[%add3A_106] : memref<262144xf32, #tpu.memory_space<hbm>> -> memref<4096xf32, #tpu.memory_space<hbm>>
    %dma_start3A_112 = tpu.memref_slice %arg6[%add3A_106] : memref<262144xf32, #tpu.memory_space<hbm>> -> memref<4096xf32, #tpu.memory_space<hbm>>
    %dma_start3A_113 = arith.constant 0 : i32
    %dma_start3A_114 = tpu.memref_slice %arg15[%dma_start3A_107, %dma_start3A_113] : memref<2x4096xf32, #tpu.memory_space<vmem>> -> memref<1x4096xf32, #tpu.memory_space<vmem>>
    %dma_start3A_115 = tpu.memref_squeeze %dma_start3A_114 : memref<1x4096xf32, #tpu.memory_space<vmem>> -> memref<4096xf32, #tpu.memory_space<vmem>>
    tpu.enqueue_dma source(%dma_start3A_115 : memref<4096xf32, #tpu.memory_space<vmem>>) target(%dma_start3A_112 : memref<4096xf32, #tpu.memory_space<hbm>>) target_semaphore(%arg19 : memref<!tpu.dma_semaphore, #tpu.memory_space<semaphore_mem>>)
    %dma_wait3A_116 = arith.constant 1 : i32
    %dma_wait3A_117 = arith.constant 1 : i32
    %dma_wait3A_118 = arith.constant 0 : i32
    %dma_wait3A_119 = tpu.memref_slice %arg15[%dma_wait3A_117, %dma_wait3A_118] : memref<2x4096xf32, #tpu.memory_space<vmem>> -> memref<1x4096xf32, #tpu.memory_space<vmem>>
    %dma_wait3A_120 = tpu.memref_squeeze %dma_wait3A_119 : memref<1x4096xf32, #tpu.memory_space<vmem>> -> memref<4096xf32, #tpu.memory_space<vmem>>
    %dma_wait3A_121 = arith.constant 0 : i32
    %dma_wait3A_122 = tpu.memref_slice %arg12[%dma_wait3A_116, %dma_wait3A_121] : memref<2x4096xi32, #tpu.memory_space<vmem>> -> memref<1x4096xi32, #tpu.memory_space<vmem>>
    %dma_wait3A_123 = tpu.memref_squeeze %dma_wait3A_122 : memref<1x4096xi32, #tpu.memory_space<vmem>> -> memref<4096xi32, #tpu.memory_space<vmem>>
    %dma_wait3A_124 = arith.constant 0 : i32
    %dma_wait3A_125 = tpu.memref_slice %arg5[%dma_wait3A_124] : memref<32000000xf32, #tpu.memory_space<hbm>> -> memref<32000000xf32, #tpu.memory_space<hbm>>
    tpu.wait_indirect_dma semaphore(%arg18 : memref<!tpu.dma_semaphore, #tpu.memory_space<semaphore_mem>>) src(%dma_wait3A_125 : memref<32000000xf32, #tpu.memory_space<hbm>>) dst(%dma_wait3A_120 : memref<4096xf32, #tpu.memory_space<vmem>>)
    %mul3A_126 = arith.constant 4096 : i32
    %mul3A_127 = arith.muli %add3A, %mul3A_126 : i32
    %add3A_128 = arith.constant 131072 : i32
    %add3A_129 = arith.addi %add3A_128, %mul3A_127 : i32
    %dma_start3A_130 = arith.constant 1 : i32
    %dma_start3A_131 = arith.constant 0 : i32
    %dma_start3A_132 = tpu.memref_slice %arg15[%dma_start3A_130, %dma_start3A_131] : memref<2x4096xf32, #tpu.memory_space<vmem>> -> memref<1x4096xf32, #tpu.memory_space<vmem>>
    %dma_start3A_133 = tpu.memref_squeeze %dma_start3A_132 : memref<1x4096xf32, #tpu.memory_space<vmem>> -> memref<4096xf32, #tpu.memory_space<vmem>>
    %dma_start3A_134 = tpu.memref_slice %arg6[%add3A_129] : memref<262144xf32, #tpu.memory_space<hbm>> -> memref<4096xf32, #tpu.memory_space<hbm>>
    %dma_start3A_135 = tpu.memref_slice %arg6[%add3A_129] : memref<262144xf32, #tpu.memory_space<hbm>> -> memref<4096xf32, #tpu.memory_space<hbm>>
    %dma_start3A_136 = arith.constant 0 : i32
    %dma_start3A_137 = tpu.memref_slice %arg15[%dma_start3A_130, %dma_start3A_136] : memref<2x4096xf32, #tpu.memory_space<vmem>> -> memref<1x4096xf32, #tpu.memory_space<vmem>>
    %dma_start3A_138 = tpu.memref_squeeze %dma_start3A_137 : memref<1x4096xf32, #tpu.memory_space<vmem>> -> memref<4096xf32, #tpu.memory_space<vmem>>
    tpu.enqueue_dma source(%dma_start3A_138 : memref<4096xf32, #tpu.memory_space<vmem>>) target(%dma_start3A_135 : memref<4096xf32, #tpu.memory_space<hbm>>) target_semaphore(%arg19 : memref<!tpu.dma_semaphore, #tpu.memory_space<semaphore_mem>>)
    %dma_wait3A_139 = arith.constant 0 : i32
    %dma_wait3A_140 = arith.constant 0 : i32
    %dma_wait3A_141 = arith.constant 0 : i32
    %dma_wait3A_142 = tpu.memref_slice %arg16[%dma_wait3A_140, %dma_wait3A_141] : memref<2x4096xf32, #tpu.memory_space<vmem>> -> memref<1x4096xf32, #tpu.memory_space<vmem>>
    %dma_wait3A_143 = tpu.memref_squeeze %dma_wait3A_142 : memref<1x4096xf32, #tpu.memory_space<vmem>> -> memref<4096xf32, #tpu.memory_space<vmem>>
    %dma_wait3A_144 = arith.constant 0 : i32
    %dma_wait3A_145 = tpu.memref_slice %arg13[%dma_wait3A_139, %dma_wait3A_144] : memref<2x4096xi32, #tpu.memory_space<vmem>> -> memref<1x4096xi32, #tpu.memory_space<vmem>>
    %dma_wait3A_146 = tpu.memref_squeeze %dma_wait3A_145 : memref<1x4096xi32, #tpu.memory_space<vmem>> -> memref<4096xi32, #tpu.memory_space<vmem>>
    %dma_wait3A_147 = arith.constant 0 : i32
    %dma_wait3A_148 = tpu.memref_slice %arg5[%dma_wait3A_147] : memref<32000000xf32, #tpu.memory_space<hbm>> -> memref<32000000xf32, #tpu.memory_space<hbm>>
    tpu.wait_indirect_dma semaphore(%arg18 : memref<!tpu.dma_semaphore, #tpu.memory_space<semaphore_mem>>) src(%dma_wait3A_148 : memref<32000000xf32, #tpu.memory_space<hbm>>) dst(%dma_wait3A_143 : memref<4096xf32, #tpu.memory_space<vmem>>)
    %mul3A_149 = arith.constant 4096 : i32
    %mul3A_150 = arith.muli %add3A, %mul3A_149 : i32
    %add3A_151 = arith.constant 0 : i32
    %add3A_152 = arith.addi %add3A_151, %mul3A_150 : i32
    %dma_start3A_153 = arith.constant 0 : i32
    %dma_start3A_154 = arith.constant 0 : i32
    %dma_start3A_155 = tpu.memref_slice %arg16[%dma_start3A_153, %dma_start3A_154] : memref<2x4096xf32, #tpu.memory_space<vmem>> -> memref<1x4096xf32, #tpu.memory_space<vmem>>
    %dma_start3A_156 = tpu.memref_squeeze %dma_start3A_155 : memref<1x4096xf32, #tpu.memory_space<vmem>> -> memref<4096xf32, #tpu.memory_space<vmem>>
    %dma_start3A_157 = tpu.memref_slice %arg7[%add3A_152] : memref<262144xf32, #tpu.memory_space<hbm>> -> memref<4096xf32, #tpu.memory_space<hbm>>
    %dma_start3A_158 = tpu.memref_slice %arg7[%add3A_152] : memref<262144xf32, #tpu.memory_space<hbm>> -> memref<4096xf32, #tpu.memory_space<hbm>>
    %dma_start3A_159 = arith.constant 0 : i32
    %dma_start3A_160 = tpu.memref_slice %arg16[%dma_start3A_153, %dma_start3A_159] : memref<2x4096xf32, #tpu.memory_space<vmem>> -> memref<1x4096xf32, #tpu.memory_space<vmem>>
    %dma_start3A_161 = tpu.memref_squeeze %dma_start3A_160 : memref<1x4096xf32, #tpu.memory_space<vmem>> -> memref<4096xf32, #tpu.memory_space<vmem>>
    tpu.enqueue_dma source(%dma_start3A_161 : memref<4096xf32, #tpu.memory_space<vmem>>) target(%dma_start3A_158 : memref<4096xf32, #tpu.memory_space<hbm>>) target_semaphore(%arg19 : memref<!tpu.dma_semaphore, #tpu.memory_space<semaphore_mem>>)
    %dma_wait3A_162 = arith.constant 1 : i32
    %dma_wait3A_163 = arith.constant 1 : i32
    %dma_wait3A_164 = arith.constant 0 : i32
    %dma_wait3A_165 = tpu.memref_slice %arg16[%dma_wait3A_163, %dma_wait3A_164] : memref<2x4096xf32, #tpu.memory_space<vmem>> -> memref<1x4096xf32, #tpu.memory_space<vmem>>
    %dma_wait3A_166 = tpu.memref_squeeze %dma_wait3A_165 : memref<1x4096xf32, #tpu.memory_space<vmem>> -> memref<4096xf32, #tpu.memory_space<vmem>>
    %dma_wait3A_167 = arith.constant 0 : i32
    %dma_wait3A_168 = tpu.memref_slice %arg13[%dma_wait3A_162, %dma_wait3A_167] : memref<2x4096xi32, #tpu.memory_space<vmem>> -> memref<1x4096xi32, #tpu.memory_space<vmem>>
    %dma_wait3A_169 = tpu.memref_squeeze %dma_wait3A_168 : memref<1x4096xi32, #tpu.memory_space<vmem>> -> memref<4096xi32, #tpu.memory_space<vmem>>
    %dma_wait3A_170 = arith.constant 0 : i32
    %dma_wait3A_171 = tpu.memref_slice %arg5[%dma_wait3A_170] : memref<32000000xf32, #tpu.memory_space<hbm>> -> memref<32000000xf32, #tpu.memory_space<hbm>>
    tpu.wait_indirect_dma semaphore(%arg18 : memref<!tpu.dma_semaphore, #tpu.memory_space<semaphore_mem>>) src(%dma_wait3A_171 : memref<32000000xf32, #tpu.memory_space<hbm>>) dst(%dma_wait3A_166 : memref<4096xf32, #tpu.memory_space<vmem>>)
    %mul3A_172 = arith.constant 4096 : i32
    %mul3A_173 = arith.muli %add3A, %mul3A_172 : i32
    %add3A_174 = arith.constant 131072 : i32
    %add3A_175 = arith.addi %add3A_174, %mul3A_173 : i32
    %dma_start3A_176 = arith.constant 1 : i32
    %dma_start3A_177 = arith.constant 0 : i32
    %dma_start3A_178 = tpu.memref_slice %arg16[%dma_start3A_176, %dma_start3A_177] : memref<2x4096xf32, #tpu.memory_space<vmem>> -> memref<1x4096xf32, #tpu.memory_space<vmem>>
    %dma_start3A_179 = tpu.memref_squeeze %dma_start3A_178 : memref<1x4096xf32, #tpu.memory_space<vmem>> -> memref<4096xf32, #tpu.memory_space<vmem>>
    %dma_start3A_180 = tpu.memref_slice %arg7[%add3A_175] : memref<262144xf32, #tpu.memory_space<hbm>> -> memref<4096xf32, #tpu.memory_space<hbm>>
    %dma_start3A_181 = tpu.memref_slice %arg7[%add3A_175] : memref<262144xf32, #tpu.memory_space<hbm>> -> memref<4096xf32, #tpu.memory_space<hbm>>
    %dma_start3A_182 = arith.constant 0 : i32
    %dma_start3A_183 = tpu.memref_slice %arg16[%dma_start3A_176, %dma_start3A_182] : memref<2x4096xf32, #tpu.memory_space<vmem>> -> memref<1x4096xf32, #tpu.memory_space<vmem>>
    %dma_start3A_184 = tpu.memref_squeeze %dma_start3A_183 : memref<1x4096xf32, #tpu.memory_space<vmem>> -> memref<4096xf32, #tpu.memory_space<vmem>>
    tpu.enqueue_dma source(%dma_start3A_184 : memref<4096xf32, #tpu.memory_space<vmem>>) target(%dma_start3A_181 : memref<4096xf32, #tpu.memory_space<hbm>>) target_semaphore(%arg19 : memref<!tpu.dma_semaphore, #tpu.memory_space<semaphore_mem>>)
    %dma_wait3A_185 = arith.constant 0 : i32
    %dma_wait3A_186 = arith.constant 0 : i32
    %dma_wait3A_187 = arith.constant 0 : i32
    %dma_wait3A_188 = tpu.memref_slice %arg17[%dma_wait3A_186, %dma_wait3A_187] : memref<2x4096xf32, #tpu.memory_space<vmem>> -> memref<1x4096xf32, #tpu.memory_space<vmem>>
    %dma_wait3A_189 = tpu.memref_squeeze %dma_wait3A_188 : memref<1x4096xf32, #tpu.memory_space<vmem>> -> memref<4096xf32, #tpu.memory_space<vmem>>
    %dma_wait3A_190 = arith.constant 0 : i32
    %dma_wait3A_191 = tpu.memref_slice %arg14[%dma_wait3A_185, %dma_wait3A_190] : memref<2x4096xi32, #tpu.memory_space<vmem>> -> memref<1x4096xi32, #tpu.memory_space<vmem>>
    %dma_wait3A_192 = tpu.memref_squeeze %dma_wait3A_191 : memref<1x4096xi32, #tpu.memory_space<vmem>> -> memref<4096xi32, #tpu.memory_space<vmem>>
    %dma_wait3A_193 = arith.constant 0 : i32
    %dma_wait3A_194 = tpu.memref_slice %arg5[%dma_wait3A_193] : memref<32000000xf32, #tpu.memory_space<hbm>> -> memref<32000000xf32, #tpu.memory_space<hbm>>
    tpu.wait_indirect_dma semaphore(%arg18 : memref<!tpu.dma_semaphore, #tpu.memory_space<semaphore_mem>>) src(%dma_wait3A_194 : memref<32000000xf32, #tpu.memory_space<hbm>>) dst(%dma_wait3A_189 : memref<4096xf32, #tpu.memory_space<vmem>>)
    %mul3A_195 = arith.constant 4096 : i32
    %mul3A_196 = arith.muli %add3A, %mul3A_195 : i32
    %add3A_197 = arith.constant 0 : i32
    %add3A_198 = arith.addi %add3A_197, %mul3A_196 : i32
    %dma_start3A_199 = arith.constant 0 : i32
    %dma_start3A_200 = arith.constant 0 : i32
    %dma_start3A_201 = tpu.memref_slice %arg17[%dma_start3A_199, %dma_start3A_200] : memref<2x4096xf32, #tpu.memory_space<vmem>> -> memref<1x4096xf32, #tpu.memory_space<vmem>>
    %dma_start3A_202 = tpu.memref_squeeze %dma_start3A_201 : memref<1x4096xf32, #tpu.memory_space<vmem>> -> memref<4096xf32, #tpu.memory_space<vmem>>
    %dma_start3A_203 = tpu.memref_slice %arg8[%add3A_198] : memref<262144xf32, #tpu.memory_space<hbm>> -> memref<4096xf32, #tpu.memory_space<hbm>>
    %dma_start3A_204 = tpu.memref_slice %arg8[%add3A_198] : memref<262144xf32, #tpu.memory_space<hbm>> -> memref<4096xf32, #tpu.memory_space<hbm>>
    %dma_start3A_205 = arith.constant 0 : i32
    %dma_start3A_206 = tpu.memref_slice %arg17[%dma_start3A_199, %dma_start3A_205] : memref<2x4096xf32, #tpu.memory_space<vmem>> -> memref<1x4096xf32, #tpu.memory_space<vmem>>
    %dma_start3A_207 = tpu.memref_squeeze %dma_start3A_206 : memref<1x4096xf32, #tpu.memory_space<vmem>> -> memref<4096xf32, #tpu.memory_space<vmem>>
    tpu.enqueue_dma source(%dma_start3A_207 : memref<4096xf32, #tpu.memory_space<vmem>>) target(%dma_start3A_204 : memref<4096xf32, #tpu.memory_space<hbm>>) target_semaphore(%arg19 : memref<!tpu.dma_semaphore, #tpu.memory_space<semaphore_mem>>)
    %dma_wait3A_208 = arith.constant 1 : i32
    %dma_wait3A_209 = arith.constant 1 : i32
    %dma_wait3A_210 = arith.constant 0 : i32
    %dma_wait3A_211 = tpu.memref_slice %arg17[%dma_wait3A_209, %dma_wait3A_210] : memref<2x4096xf32, #tpu.memory_space<vmem>> -> memref<1x4096xf32, #tpu.memory_space<vmem>>
    %dma_wait3A_212 = tpu.memref_squeeze %dma_wait3A_211 : memref<1x4096xf32, #tpu.memory_space<vmem>> -> memref<4096xf32, #tpu.memory_space<vmem>>
    %dma_wait3A_213 = arith.constant 0 : i32
    %dma_wait3A_214 = tpu.memref_slice %arg14[%dma_wait3A_208, %dma_wait3A_213] : memref<2x4096xi32, #tpu.memory_space<vmem>> -> memref<1x4096xi32, #tpu.memory_space<vmem>>
    %dma_wait3A_215 = tpu.memref_squeeze %dma_wait3A_214 : memref<1x4096xi32, #tpu.memory_space<vmem>> -> memref<4096xi32, #tpu.memory_space<vmem>>
    %dma_wait3A_216 = arith.constant 0 : i32
    %dma_wait3A_217 = tpu.memref_slice %arg5[%dma_wait3A_216] : memref<32000000xf32, #tpu.memory_space<hbm>> -> memref<32000000xf32, #tpu.memory_space<hbm>>
    tpu.wait_indirect_dma semaphore(%arg18 : memref<!tpu.dma_semaphore, #tpu.memory_space<semaphore_mem>>) src(%dma_wait3A_217 : memref<32000000xf32, #tpu.memory_space<hbm>>) dst(%dma_wait3A_212 : memref<4096xf32, #tpu.memory_space<vmem>>)
    %mul3A_218 = arith.constant 4096 : i32
    %mul3A_219 = arith.muli %add3A, %mul3A_218 : i32
    %add3A_220 = arith.constant 131072 : i32
    %add3A_221 = arith.addi %add3A_220, %mul3A_219 : i32
    %dma_start3A_222 = arith.constant 1 : i32
    %dma_start3A_223 = arith.constant 0 : i32
    %dma_start3A_224 = tpu.memref_slice %arg17[%dma_start3A_222, %dma_start3A_223] : memref<2x4096xf32, #tpu.memory_space<vmem>> -> memref<1x4096xf32, #tpu.memory_space<vmem>>
    %dma_start3A_225 = tpu.memref_squeeze %dma_start3A_224 : memref<1x4096xf32, #tpu.memory_space<vmem>> -> memref<4096xf32, #tpu.memory_space<vmem>>
    %dma_start3A_226 = tpu.memref_slice %arg8[%add3A_221] : memref<262144xf32, #tpu.memory_space<hbm>> -> memref<4096xf32, #tpu.memory_space<hbm>>
    %dma_start3A_227 = tpu.memref_slice %arg8[%add3A_221] : memref<262144xf32, #tpu.memory_space<hbm>> -> memref<4096xf32, #tpu.memory_space<hbm>>
    %dma_start3A_228 = arith.constant 0 : i32
    %dma_start3A_229 = tpu.memref_slice %arg17[%dma_start3A_222, %dma_start3A_228] : memref<2x4096xf32, #tpu.memory_space<vmem>> -> memref<1x4096xf32, #tpu.memory_space<vmem>>
    %dma_start3A_230 = tpu.memref_squeeze %dma_start3A_229 : memref<1x4096xf32, #tpu.memory_space<vmem>> -> memref<4096xf32, #tpu.memory_space<vmem>>
    tpu.enqueue_dma source(%dma_start3A_230 : memref<4096xf32, #tpu.memory_space<vmem>>) target(%dma_start3A_227 : memref<4096xf32, #tpu.memory_space<hbm>>) target_semaphore(%arg19 : memref<!tpu.dma_semaphore, #tpu.memory_space<semaphore_mem>>)
    %dma_wait3A_231 = arith.constant 0 : i32
    %dma_wait3A_232 = arith.constant 0 : i32
    %dma_wait3A_233 = tpu.memref_slice %arg15[%dma_wait3A_231, %dma_wait3A_232] : memref<2x4096xf32, #tpu.memory_space<vmem>> -> memref<1x4096xf32, #tpu.memory_space<vmem>>
    %dma_wait3A_234 = tpu.memref_squeeze %dma_wait3A_233 : memref<1x4096xf32, #tpu.memory_space<vmem>> -> memref<4096xf32, #tpu.memory_space<vmem>>
    %dma_wait3A_235 = tpu.memref_slice %arg6[%add3A_106] : memref<262144xf32, #tpu.memory_space<hbm>> -> memref<4096xf32, #tpu.memory_space<hbm>>
    %dma_wait3A_236 = tpu.memref_slice %arg6[%add3A_106] : memref<262144xf32, #tpu.memory_space<hbm>> -> memref<4096xf32, #tpu.memory_space<hbm>>
    %dma_wait3A_237 = arith.constant 0 : i32
    %dma_wait3A_238 = tpu.memref_slice %arg15[%dma_wait3A_231, %dma_wait3A_237] : memref<2x4096xf32, #tpu.memory_space<vmem>> -> memref<1x4096xf32, #tpu.memory_space<vmem>>
    %dma_wait3A_239 = tpu.memref_squeeze %dma_wait3A_238 : memref<1x4096xf32, #tpu.memory_space<vmem>> -> memref<4096xf32, #tpu.memory_space<vmem>>
    tpu.wait_dma2 semaphore(%arg19 : memref<!tpu.dma_semaphore, #tpu.memory_space<semaphore_mem>>) src(%dma_wait3A_239 : memref<4096xf32, #tpu.memory_space<vmem>>) dst(%dma_wait3A_236 : memref<4096xf32, #tpu.memory_space<hbm>>)
    %dma_wait3A_240 = arith.constant 1 : i32
    %dma_wait3A_241 = arith.constant 0 : i32
    %dma_wait3A_242 = tpu.memref_slice %arg15[%dma_wait3A_240, %dma_wait3A_241] : memref<2x4096xf32, #tpu.memory_space<vmem>> -> memref<1x4096xf32, #tpu.memory_space<vmem>>
    %dma_wait3A_243 = tpu.memref_squeeze %dma_wait3A_242 : memref<1x4096xf32, #tpu.memory_space<vmem>> -> memref<4096xf32, #tpu.memory_space<vmem>>
    %dma_wait3A_244 = tpu.memref_slice %arg6[%add3A_129] : memref<262144xf32, #tpu.memory_space<hbm>> -> memref<4096xf32, #tpu.memory_space<hbm>>
    %dma_wait3A_245 = tpu.memref_slice %arg6[%add3A_129] : memref<262144xf32, #tpu.memory_space<hbm>> -> memref<4096xf32, #tpu.memory_space<hbm>>
    %dma_wait3A_246 = arith.constant 0 : i32
    %dma_wait3A_247 = tpu.memref_slice %arg15[%dma_wait3A_240, %dma_wait3A_246] : memref<2x4096xf32, #tpu.memory_space<vmem>> -> memref<1x4096xf32, #tpu.memory_space<vmem>>
    %dma_wait3A_248 = tpu.memref_squeeze %dma_wait3A_247 : memref<1x4096xf32, #tpu.memory_space<vmem>> -> memref<4096xf32, #tpu.memory_space<vmem>>
    tpu.wait_dma2 semaphore(%arg19 : memref<!tpu.dma_semaphore, #tpu.memory_space<semaphore_mem>>) src(%dma_wait3A_248 : memref<4096xf32, #tpu.memory_space<vmem>>) dst(%dma_wait3A_245 : memref<4096xf32, #tpu.memory_space<hbm>>)
    %dma_wait3A_249 = arith.constant 0 : i32
    %dma_wait3A_250 = arith.constant 0 : i32
    %dma_wait3A_251 = tpu.memref_slice %arg16[%dma_wait3A_249, %dma_wait3A_250] : memref<2x4096xf32, #tpu.memory_space<vmem>> -> memref<1x4096xf32, #tpu.memory_space<vmem>>
    %dma_wait3A_252 = tpu.memref_squeeze %dma_wait3A_251 : memref<1x4096xf32, #tpu.memory_space<vmem>> -> memref<4096xf32, #tpu.memory_space<vmem>>
    %dma_wait3A_253 = tpu.memref_slice %arg7[%add3A_152] : memref<262144xf32, #tpu.memory_space<hbm>> -> memref<4096xf32, #tpu.memory_space<hbm>>
    %dma_wait3A_254 = tpu.memref_slice %arg7[%add3A_152] : memref<262144xf32, #tpu.memory_space<hbm>> -> memref<4096xf32, #tpu.memory_space<hbm>>
    %dma_wait3A_255 = arith.constant 0 : i32
    %dma_wait3A_256 = tpu.memref_slice %arg16[%dma_wait3A_249, %dma_wait3A_255] : memref<2x4096xf32, #tpu.memory_space<vmem>> -> memref<1x4096xf32, #tpu.memory_space<vmem>>
    %dma_wait3A_257 = tpu.memref_squeeze %dma_wait3A_256 : memref<1x4096xf32, #tpu.memory_space<vmem>> -> memref<4096xf32, #tpu.memory_space<vmem>>
    tpu.wait_dma2 semaphore(%arg19 : memref<!tpu.dma_semaphore, #tpu.memory_space<semaphore_mem>>) src(%dma_wait3A_257 : memref<4096xf32, #tpu.memory_space<vmem>>) dst(%dma_wait3A_254 : memref<4096xf32, #tpu.memory_space<hbm>>)
    %dma_wait3A_258 = arith.constant 1 : i32
    %dma_wait3A_259 = arith.constant 0 : i32
    %dma_wait3A_260 = tpu.memref_slice %arg16[%dma_wait3A_258, %dma_wait3A_259] : memref<2x4096xf32, #tpu.memory_space<vmem>> -> memref<1x4096xf32, #tpu.memory_space<vmem>>
    %dma_wait3A_261 = tpu.memref_squeeze %dma_wait3A_260 : memref<1x4096xf32, #tpu.memory_space<vmem>> -> memref<4096xf32, #tpu.memory_space<vmem>>
    %dma_wait3A_262 = tpu.memref_slice %arg7[%add3A_175] : memref<262144xf32, #tpu.memory_space<hbm>> -> memref<4096xf32, #tpu.memory_space<hbm>>
    %dma_wait3A_263 = tpu.memref_slice %arg7[%add3A_175] : memref<262144xf32, #tpu.memory_space<hbm>> -> memref<4096xf32, #tpu.memory_space<hbm>>
    %dma_wait3A_264 = arith.constant 0 : i32
    %dma_wait3A_265 = tpu.memref_slice %arg16[%dma_wait3A_258, %dma_wait3A_264] : memref<2x4096xf32, #tpu.memory_space<vmem>> -> memref<1x4096xf32, #tpu.memory_space<vmem>>
    %dma_wait3A_266 = tpu.memref_squeeze %dma_wait3A_265 : memref<1x4096xf32, #tpu.memory_space<vmem>> -> memref<4096xf32, #tpu.memory_space<vmem>>
    tpu.wait_dma2 semaphore(%arg19 : memref<!tpu.dma_semaphore, #tpu.memory_space<semaphore_mem>>) src(%dma_wait3A_266 : memref<4096xf32, #tpu.memory_space<vmem>>) dst(%dma_wait3A_263 : memref<4096xf32, #tpu.memory_space<hbm>>)
    %dma_wait3A_267 = arith.constant 0 : i32
    %dma_wait3A_268 = arith.constant 0 : i32
    %dma_wait3A_269 = tpu.memref_slice %arg17[%dma_wait3A_267, %dma_wait3A_268] : memref<2x4096xf32, #tpu.memory_space<vmem>> -> memref<1x4096xf32, #tpu.memory_space<vmem>>
    %dma_wait3A_270 = tpu.memref_squeeze %dma_wait3A_269 : memref<1x4096xf32, #tpu.memory_space<vmem>> -> memref<4096xf32, #tpu.memory_space<vmem>>
    %dma_wait3A_271 = tpu.memref_slice %arg8[%add3A_198] : memref<262144xf32, #tpu.memory_space<hbm>> -> memref<4096xf32, #tpu.memory_space<hbm>>
    %dma_wait3A_272 = tpu.memref_slice %arg8[%add3A_198] : memref<262144xf32, #tpu.memory_space<hbm>> -> memref<4096xf32, #tpu.memory_space<hbm>>
    %dma_wait3A_273 = arith.constant 0 : i32
    %dma_wait3A_274 = tpu.memref_slice %arg17[%dma_wait3A_267, %dma_wait3A_273] : memref<2x4096xf32, #tpu.memory_space<vmem>> -> memref<1x4096xf32, #tpu.memory_space<vmem>>
    %dma_wait3A_275 = tpu.memref_squeeze %dma_wait3A_274 : memref<1x4096xf32, #tpu.memory_space<vmem>> -> memref<4096xf32, #tpu.memory_space<vmem>>
    tpu.wait_dma2 semaphore(%arg19 : memref<!tpu.dma_semaphore, #tpu.memory_space<semaphore_mem>>) src(%dma_wait3A_275 : memref<4096xf32, #tpu.memory_space<vmem>>) dst(%dma_wait3A_272 : memref<4096xf32, #tpu.memory_space<hbm>>)
    %dma_wait3A_276 = arith.constant 1 : i32
    %dma_wait3A_277 = arith.constant 0 : i32
    %dma_wait3A_278 = tpu.memref_slice %arg17[%dma_wait3A_276, %dma_wait3A_277] : memref<2x4096xf32, #tpu.memory_space<vmem>> -> memref<1x4096xf32, #tpu.memory_space<vmem>>
    %dma_wait3A_279 = tpu.memref_squeeze %dma_wait3A_278 : memref<1x4096xf32, #tpu.memory_space<vmem>> -> memref<4096xf32, #tpu.memory_space<vmem>>
    %dma_wait3A_280 = tpu.memref_slice %arg8[%add3A_221] : memref<262144xf32, #tpu.memory_space<hbm>> -> memref<4096xf32, #tpu.memory_space<hbm>>
    %dma_wait3A_281 = tpu.memref_slice %arg8[%add3A_221] : memref<262144xf32, #tpu.memory_space<hbm>> -> memref<4096xf32, #tpu.memory_space<hbm>>
    %dma_wait3A_282 = arith.constant 0 : i32
    %dma_wait3A_283 = tpu.memref_slice %arg17[%dma_wait3A_276, %dma_wait3A_282] : memref<2x4096xf32, #tpu.memory_space<vmem>> -> memref<1x4096xf32, #tpu.memory_space<vmem>>
    %dma_wait3A_284 = tpu.memref_squeeze %dma_wait3A_283 : memref<1x4096xf32, #tpu.memory_space<vmem>> -> memref<4096xf32, #tpu.memory_space<vmem>>
    tpu.wait_dma2 semaphore(%arg19 : memref<!tpu.dma_semaphore, #tpu.memory_space<semaphore_mem>>) src(%dma_wait3A_284 : memref<4096xf32, #tpu.memory_space<vmem>>) dst(%dma_wait3A_281 : memref<4096xf32, #tpu.memory_space<hbm>>)
    return
  }
}

</mosaic_0001>

<sc_bundles>
// kernel: kernel.3.cloned.1.call-start
scs
__scs_entry_jumppad:
0x0: {  	(pc) =	sbr.rel $0x88, $3  }
0x1: {  	(tag) =	ssettag $0x0;
	lr =	simm.s32 $0x1  }
0x2: {  	[smem:$0x3F9D] =	sst lr;
	_ =	strace $0xD0000000  }
0x3: {  	_ = 	snop  }
0x4: {  	_ = 	snop  }
0x5: {  	_ = 	snop  }
0x6: {  	_ = 	snop  }
0x7: {  	_ = 	snop  }
__scs_overlays_trampoline_lowered:
0x8: {  	[smem:$0x3FAC] =	sst s0  }
0x9: {  	[smem:$0x3FAD] =	sst s1  }
0xa: {  	[smem:$0x3FAE] =	sst s2  }
0xb: {  	[smem:$0x3FAF] =	sst s3  }
0xc: {  	[smem:$0x3FB0] =	sst s4  }
0xd: {  	[smem:$0x3FB1] =	sst s5  }
0xe: {  	[smem:$0x3FB2] =	sst s6  }
0xf: {  	[smem:$0x3FB3] =	sst s7  }
0x10: {  	[smem:$0x3FB4] =	sst s8  }
0x11: {  	[smem:$0x3FB5] =	sst s9;
	s0 =	simm.s32 @!p0 $0x0  }
0x12: {  	s1 =	sld [smem:$0x3F9B];
	s0 =	simm.s32 @p0 $0x1  }
0x13: {  	[smem:$0x3FB6] =	sst s0;
	s0 =	simm.s32 @!p1 $0x0  }
0x14: {  	s2 =	sld [smem:$0x3F9A];
	s0 =	simm.s32 @p1 $0x1  }
0x15: {  	[smem:$0x3FB7] =	sst s0;
	s0 =	simm.s32 @!p2 $0x0  }
0x16: {  	s3 =	sld [smem:$0x3FDB];
	s0 =	simm.s32 @p2 $0x1  }
0x17: {  	s4 =	simm.s32 $0x1BF5;
	[smem:$0x3FB9] =	sst s0  }
0x18: {  	s0 =	sld [smem:$0x3F9C];
	_ =	swait.ge [sflag:s4], $0x0  }
0x19: {  	s7 =	sld [smem:$0x3F9D]  }
0x1a: {  	s8 =	sadd.s32 $0xFFFFE003, lr  }
0x1b: {  	s9 =	sadd.s32 $0xFFFFFEF7, lr;
	s5 =	simm.s32 $0xFFFFFFFF;
	p2 =	slt.u32 s8, $0xFFFFF086  }
0x1c: {  	p1 =	slt.u32 s9, $0xF7A;
	s5 =	simm.s32 @!p2 $0x0  }
0x1d: {  	s5 =	simm.s32 @p1 $0x1;
	p0 =	seq.s32 s7, s2  }
0x1e: {  	s7 =	smul.u32 @!p0 $0xF7A, s2;
	p2 =	seq.s32 @!p0 s5, $0x0  }
0x1f: {  	s9 =	smul.u32 $0xF7A, s1;
	s8 =	simm.s32 @!p0 $0x1BF5;
	p2 =	por !p2, p0  }
0x20: {  	[sflag:s8] =	ssyncset.s32 @!p0 $0xFFFFF086;
	s6 =	sadd.s32 @!p0 s3, s7;
	s7 =	simm.s32 @!p0 $0x108  }
0x21: {  	s3 =	sadd.s32 s3, s9;
	s6 =	sadd.s32 @!p0 $0x88, s6;
	s7 =	simm.s32 @p2 $0x1082  }
0x22: {  	[simem:s7], [sflag:s8] =	dma.local @!p0 [hbm:s6], $0xF7A  }
0x23: {  	s9 =	sor.u32 $0xD0000000, s2;
	s6 =	simm.s32 $0x108;
	_ =	swait.ge @!p0 [sflag:s8], $0x0  }
0x24: {  	s3 =	sadd.s32 $0x88, s3;
	s6 =	simm.s32 @!p1 $0x1082;
	[sflag:s4] =	ssyncset.s32 $0xFFFFF086  }
0x25: {  	[simem:s6], [sflag:s4] =	dma.local [hbm:s3], $0xF7A  }
0x26: {  	[smem:$0x3F9D] =	sst s1;
	(tag) =	ssettag s2;
	_ =	strace s9  }
0x27: {  	s1 =	sld [smem:$0x3FAD]  }
0x28: {  	s2 =	sld [smem:$0x3FAE]  }
0x29: {  	s4 =	sld [smem:$0x3FB0]  }
0x2a: {  	p0 =	seq.s32 s5, $0x0;
	s5 =	sld [smem:$0x3FB1]  }
0x2b: {  	s6 =	sld [smem:$0x3FB2]  }
0x2c: {  	s7 =	sld [smem:$0x3FB3]  }
0x2d: {  	s3 =	simm.s32 $0x108;
	s8 =	sld [smem:$0x3FB4]  }
0x2e: {  	s3 =	simm.s32 @!p0 $0x1082;
	s9 =	sld [smem:$0x3FB5]  }
0x2f: {  	lr =	sadd.s32 s0, s3;
	s0 =	sld [smem:$0x3FAC]  }
0x30: {  	s3 =	sld [smem:$0x3FAF]  }
0x31: {  	[smem:$0x3FB8] =	sst s10  }
0x32: {  	s10 =	sld [smem:$0x3FB6];
	_ =	sdelay $0x3  }
0x33: {  	p0 =	seq.s32 s10, $0x1;
	s10 =	sld [smem:$0x3FB8];
	_ =	sdelay $0x3  }
0x34: {  	[smem:$0x3FB8] =	sst s10  }
0x35: {  	s10 =	sld [smem:$0x3FB7];
	_ =	sdelay $0x3  }
0x36: {  	p1 =	seq.s32 s10, $0x1;
	s10 =	sld [smem:$0x3FB8];
	_ =	sdelay $0x3  }
0x37: {  	[smem:$0x3FB8] =	sst s10  }
0x38: {  	s10 =	sld [smem:$0x3FB9]  }
0x39: {  	_ = 	snop;
	(pc) =	sbr.ind lr, $3  }
0x3a: {  	_ = 	snop  }
0x3b: {  	_ = 	snop  }
0x3c: {  	p2 =	seq.s32 s10, $0x1;
	s10 =	sld [smem:$0x3FB8]  }
0x3d: {  	_ =	shalt  }
0x3e: {  	_ =	shalt  }
0x3f: {  	_ =	shalt  }
0x40: {  	_ =	shalt  }
0x41: {  	_ =	shalt  }
0x42: {  	_ =	shalt  }
0x43: {  	_ =	shalt  }
0x44: {  	_ =	shalt  }
0x45: {  	_ =	shalt  }
0x46: {  	_ =	shalt  }
0x47: {  	_ =	shalt  }
0x48: {  	_ =	shalt  }
0x49: {  	_ =	shalt  }
0x4a: {  	_ =	shalt  }
0x4b: {  	_ =	shalt  }
0x4c: {  	_ =	shalt  }
0x4d: {  	_ =	shalt  }
0x4e: {  	_ =	shalt  }
0x4f: {  	_ =	shalt  }
0x50: {  	_ =	shalt  }
0x51: {  	_ =	shalt  }
0x52: {  	_ =	shalt  }
0x53: {  	_ =	shalt  }
0x54: {  	_ =	shalt  }
0x55: {  	_ =	shalt  }
0x56: {  	_ =	shalt  }
0x57: {  	_ =	shalt  }
0x58: {  	_ =	shalt  }
0x59: {  	_ =	shalt  }
0x5a: {  	_ =	shalt  }
0x5b: {  	_ =	shalt  }
0x5c: {  	_ =	shalt  }
0x5d: {  	_ =	shalt  }
0x5e: {  	_ =	shalt  }
0x5f: {  	_ =	shalt  }
0x60: {  	_ =	shalt  }
0x61: {  	_ =	shalt  }
0x62: {  	_ =	shalt  }
0x63: {  	_ =	shalt  }
0x64: {  	_ =	shalt  }
0x65: {  	_ =	shalt  }
0x66: {  	_ =	shalt  }
0x67: {  	_ =	shalt  }
0x68: {  	_ =	shalt  }
0x69: {  	_ =	shalt  }
0x6a: {  	_ =	shalt  }
0x6b: {  	_ =	shalt  }
0x6c: {  	_ =	shalt  }
0x6d: {  	_ =	shalt  }
0x6e: {  	_ =	shalt  }
0x6f: {  	_ =	shalt  }
0x70: {  	_ =	shalt  }
0x71: {  	_ =	shalt  }
0x72: {  	_ =	shalt  }
0x73: {  	_ =	shalt  }
0x74: {  	_ =	shalt  }
0x75: {  	_ =	shalt  }
0x76: {  	_ =	shalt  }
0x77: {  	_ =	shalt  }
0x78: {  	_ =	shalt  }
0x79: {  	_ =	shalt  }
0x7a: {  	_ =	shalt  }
0x7b: {  	_ =	shalt  }
0x7c: {  	_ =	shalt  }
0x7d: {  	_ =	shalt  }
0x7e: {  	_ =	shalt  }
0x7f: {  	_ =	shalt  }
0x80: {  	_ =	shalt  }
0x81: {  	_ =	shalt  }
0x82: {  	_ =	shalt  }
0x83: {  	_ =	shalt  }
0x84: {  	_ =	shalt  }
0x85: {  	_ =	shalt  }
0x86: {  	_ =	shalt  }
0x87: {  	_ =	shalt  }
.Lfunc_end0:
.L_simem_size_0:
called_computation_lowered:
.L_overlay_start_0:
0x88: {  	s2 =	sld [smem:$0x3FD9]  }
0x89: {  	s3 =	sld [smem:$0x3FFE];
	_ =	sdelay $0x1  }
0x8a: {  	s1 =	srdreg.scid  }
0x8b: {  	s0 =	sand.u32 $0x1, s1  }
0x8c: {  	s15 =	sshll.u32 s0, $0xA;
	s2 =	sadd.s32 s3, s2  }
0x8d: {  	s2 =	sadd.s32 s2, s15  }
0x8e: {  	[smem:$0x3FC4] =	sst s2  }
0x8f: {  	_ = 	snop  }
0x90: {  	s2 =	sld [smem:$0x3FC9]  }
0x91: {  	s16 =	sld [smem:$0x3FD0]  }
0x92: {  	s4 =	sld [smem:$0x3FC8]  }
0x93: {  	s5 =	sld [smem:$0x3FC7]  }
0x94: {  	s7 =	simm.s32 $0xA;
	s8 =	simm.s32 $0x10;
	s6 =	sld [smem:$0x3FC6]  }
0x95: {  	[smem:s8], [sflag:s7] =	dma.local [hbm:s16], $0x1  }
0x96: {  	_ =	swait.eq [sflag:s7], $0x1  }
0x97: {  	s17 =	sld [smem:$0x10];
	[sflag:s7] =	ssyncset.done $0x0  }
0x98: {  	s18 =	sld [smem:$0x11];
	[sflag:s7] =	ssyncadd.s32 $0xFFFFFFFF  }
0x99: {  	s19 =	sld [smem:$0x12];
	(tm) =	ssettm $0x1  }
0x9a: {  	s9 =	sld [smem:$0x3FFB];
	_ =	sdelay $0x3  }
0x9b: {  	_ =	strace s9  }
0x9c: {  	s9 =	sld [smem:$0x3FFC];
	_ =	sdelay $0x3  }
0x9d: {  	_ =	strace s9  }
0x9e: {  	s9 =	sld [smem:$0x3FFD];
	_ =	sdelay $0x3  }
0x9f: {  	_ =	strace s9  }
0xa0: {  	_ =	strace $0x8FFFFFFF  }
0xa1: {  	s20 =	sld [smem:$0x3FDB];
	_ =	sdelay $0x1  }
0xa2: {  	s10 =	simm.s32 $_scs_section_size  }
0xa3: {  	s11 =	simm.s32 $_size__tile_overlayer_lowered;
	s12 =	simm.s32 $_tile_overlayer_lowered  }
0xa4: {  	s23 =	simm.s32 $0x1BFF;
	s22 =	sshll.u32 s12, $0x1;
	s9 =	sadd.s32 s10, s20  }
0xa5: {  	s13 =	simm.s32 $0x0;
	s21 =	sshll.u32 s11, $0x1;
	s11 =	sadd.s32 s22, s9  }
0xa6: {  	[timem:s13], [sflag:s23] =	dma.local [hbm:s11], s21  }
0xa7: {  	_ =	swait.ge [sflag:s23], s21  }
0xa8: {  	s10 =	ssub.s32 $0x0, s21;
	[sflag:s23] =	ssyncset.done $0x0  }
0xa9: {  	[sflag:s23] =	ssyncadd.s32 s10;
	_ =	sdelay $0x1  }
0xaa: {  	s24 =	simm.s32 $0x1B8B  }
0xab: {  	_ =	swait.ge [sflag:s24], $0x1  }
0xac: {  	[sflag:s24] =	ssyncset.done $0x0  }
0xad: {  	s25 =	simm.s32 $0x1B8E;
	[sflag:s24] =	ssyncadd.s32 $0xFFFFFFFF  }
0xae: {  	s26 =	simm.s32 $execute0_lowered;
	[smem:$0x3FD2] =	sst s25  }
0xaf: {  	s10 =	sshll.u32 s26, $0x1;
	_ =	strace $0x80000046;
	[dreg:$0x1] =	wrdreg $0xFFFFFFFF  }
0xb0: {  	s28 =	simm.s32 $_size_execute0_lowered;
	s9 =	sadd.s32 s9, s10;
	[dreg:$0x0] =	wrdreg $0x0  }
0xb1: {  	s10 =	sshll.u32 s28, $0x1;
	[dreg:$0x2] =	wrdreg s9  }
0xb2: {  	[dreg:$0x3] =	wrdreg s10  }
0xb3: {  	[dreg:$0x4] =	wrdreg $0xC0  }
0xb4: {  	_ =	task [dreg:s13], $0x5FFFF  }
0xb5: {  	[dreg:$0x1] =	wrdreg $0xFFFFFFFF  }
0xb6: {  	[dreg:$0x0] =	wrdreg $0x60  }
0xb7: {  	[dreg:$0x2] =	wrdreg s2  }
0xb8: {  	[dreg:$0x3] =	wrdreg s4  }
0xb9: {  	[dreg:$0x4] =	wrdreg s5  }
0xba: {  	[dreg:$0x5] =	wrdreg s6  }
0xbb: {  	[dreg:$0x6] =	wrdreg s17  }
0xbc: {  	[dreg:$0x7] =	wrdreg s18  }
0xbd: {  	[dreg:$0x8] =	wrdreg s19  }
0xbe: {  	[dreg:$0x9] =	wrdreg $0x9  }
0xbf: {  	_ =	task.clear_ibuf [dreg:s13], $0xAFFFF;
	_ =	strace $0x90000046  }
0xc0: {  	s29 =	simm.s32 $0x9;
	_ =	strace $0x80000048  }
0xc1: {  	_ =	swait.ge [sflag:s29], $0x1  }
0xc2: {  	[sflag:s29] =	ssyncadd.s32 $0xFFFFFFFF  }
0xc3: {  	_ =	strace $0x90000048  }
0xc4: {  	_ =	sfence  }
0xc5: {  	s30 =	sld [smem:$0x0];
	_ =	sdelay $0x2  }
0xc6: {  	s31 =	sshll.u32 s1, $0xD;
	s1 =	sshrl.u32 s1, $0x2  }
0xc7: {  	s3 =	sand.u32 $0x4000, s31;
	s1 =	sadd.s32 s1, s30  }
0xc8: {  	s0 =	sor.u32 s3, s0;
	s1 =	sshll.u32 s1, $0x11  }
0xc9: {  	s0 =	sor.u32 s1, s0  }
0xca: {  	s0 =	sadd.s32 $0x8F2B, s0  }
0xcb: {  	[sflag:s0] =	ssyncadd.remote.s32 $0x1  }
0xcc: {  	_ =	sfence.sel $0xFFFF  }
0xcd: {  	[dreg:$0x0] =	wrdreg $0xFFFFFFFF;
	(pc) =	sbr.abs _section_cstart, $3  }
0xce: {  	[dreg:$0x1] =	wrdreg $0xFFFFFFFF  }
0xcf: {  	_ =	task.clear_ibuf [dreg:s13], $0x2FFFF;
	_ =	strace $0x9FFFFFFF  }
0xd0: {  	(tm) =	ssettm $0x7FFFFFFF  }
0xd1: {  	_ =	shalt  }
tec
execute0_lowered:
.L_overlay_start_1:
0x0: {  	(tag) =	ssettag $0x1  }
0x1: {  	s0 =	rddreg [dreg:$0x0]  }
0x2: {  	s2 =	rddreg [dreg:$0x1]  }
0x3: {  	s6 =	rddreg [dreg:$0x2]  }
0x4: {  	s1 =	rddreg [dreg:$0x3]  }
0x5: {  	s8 =	rddreg [dreg:$0x4]  }
0x6: {  	s10 =	rddreg [dreg:$0x5]  }
0x7: {  	s12 =	rddreg [dreg:$0x6]  }
0x8: {  	s3 =	srdreg.scid;
	s7 =	stileid.u32  }
0x9: {  	s16 =	simm.s32 $0x2;
	s17 =	simm.s32 $0x1000;
	s19 =	simm.s32 $0x6600  }
0xa: {  	s21 =	simm.s32 $0x7600;
	s23 =	simm.s32 $0x8600;
	s28 =	simm.s32 $0xA600  }
0xb: {  	s29 =	simm.s32 $0x5600;
	s30 =	simm.s32 $0xB600;
	s31 =	simm.s32 $0x1  }
0xc: {  	s4 =	sand.u32 $0x1, s3;
	s3 =	simm.s32 $0x0;
	s7 =	sshll.u32 s7, $0x1  }
0xd: {  	s5 =	ssub.s32 $0x2, s4;
	[smem:$0x7FF] =	sst s3;
	s7 =	sor.u32 s4, s7  }
0xe: {  	s9 =	sshrl.u32 s5, $0x1;
	_ =	strace $0x80000047;
	s24 =	sshll.u32 s7, $0x6  }
0xf: {  	s25 =	sshll.u32 s7, $0x9;
	s13 =	ssub.s32 s5, s9;
	s4 =	sadd.s32 s0, s24  }
0x10: {  	s5 =	sadd.s32 s2, s24;
	s6 =	sadd.s32 s6, s24;
	s7 =	sadd.s32 s8, s25  }
0x11: {  	s26 =	sor.u32 $0x4000, s25;
	s9 =	sadd.s32 s10, s25;
	s11 =	sadd.s32 s12, s25  }
0x12: {  	s25 =	simm.s32 $0x9600;
	s0 =	simm.s32 $0x0;
	s8 =	sadd.s32 s8, s26  }
0x13: {  	s10 =	sadd.s32 s10, s26;
	s12 =	sadd.s32 s12, s26;
	s13 =	smax.u32 s13, $0x1  }
.LBB2_1:
0x14: {  	[tilespmem:s3], [sflag:$0x2] =	stream.linear.gather [hbm4b:s4+s3], $0x200, $0x38;
	[tilespmem:$0xC600] =	vst v63  }
0x15: {  	s2 =	simm.s32 $0x200  }
0x16: {  	[tilespmem:s2], [sflag:$0x2] =	stream.linear.gather [hbm4b:s5+s3], $0x200, $0x38;
	[tilespmem:$0xC600] =	vst v63  }
0x17: {  	s24 =	simm.s32 $0x400  }
0x18: {  	[tilespmem:s24], [sflag:$0x2] =	stream.linear.gather [hbm4b:s6+s3], $0x200, $0x38;
	[tilespmem:$0xC600] =	vst v63  }
0x19: {  	_ =	swait.ge [sflag:s16], $0x200  }
0x1a: {  	[sflag:s16] =	ssyncset.done $0x0  }
0x1b: {  	[sflag:s16] =	ssyncadd.s32 $0xFFFFFE00  }
0x1c: {  	v0 =	vld [tilespmem:s3+$0x0];
	_ =	sdelay $0x4  }
0x1d: {  	v1 =	vshll.u32 v0, $0x3  }
0x1e: {  	s26 =	sand.u32 $0xC00, s3;
	s14 =	sand.u32 $0x70, s3;
	v0 =	vand.u32 $0x7F, v0;
	v1 =	vand.u32 $0xFFFFFC00, v1  }
0x1f: {  	s14 =	sor.u32 s14, s26;
	v0 =	vor.u32 v0, v1  }
0x20: {  	s20 =	simm.s32 $0x80;
	[tilespmem:s14+$0x600] =	vst v0;
	v5 =	vadd.s32 $0xF42400, v0;
	v3 =	vor.u32 $0x80, v0;
	v6 =	vadd.s32 $0xF42700, v0  }
0x21: {  	s15 =	simm.s32 $0x0;
	s18 =	simm.s32 $0x0;
	s2 =	sor.u32 s3, s3;
	v2 =	vadd.s32 $0xF42480, v0;
	v1 =	vor.u32 $0x100, v0;
	v4 =	vor.u32 $0x300, v0;
	[tilespmem:s14+$0x1900] =	vst v6  }
.LBB2_2:
0x22: {  	s15 =	sadd.s32 $0x10, s15  }
0x23: {  	[tilespmem:s14+$0x1600] =	vst v5;
	v5 =	vadd.s32 $0xF42500, v0;
	v6 =	vor.u32 $0x180, v0;
	v7 =	vadd.s32 $0xF42580, v0;
	s18 =	sadd.s32 $0x10, s18;
	s24 =	smov.u32 s20;
	s22 =	sadd.s32 $0x80, s20  }
0x24: {  	p0 =	sne.s32 s20, $0xF80;
	v8 =	vadd.s32 $0xF42600, v0;
	v9 =	vor.u32 $0x280, v0;
	s26 =	sor.u32 s24, s15;
	[tilespmem:s14+$0x680] =	vst v3;
	v3 =	vor.u32 $0x200, v0  }
0x25: {  	v10 =	vadd.s32 $0xF42680, v0;
	[tilespmem:s14+$0x900] =	vst v4  }
0x26: {  	[tilespmem:s14+$0x1780] =	vst v7  }
0x27: {  	[tilespmem:s14+$0x880] =	vst v9  }
0x28: {  	[tilespmem:s14+$0x1800] =	vst v8  }
0x29: {  	[tilespmem:s14+$0x1680] =	vst v2  }
0x2a: {  	[tilespmem:s14+$0x700] =	vst v1  }
0x2b: {  	[tilespmem:s14+$0x1880] =	vst v10  }
0x2c: {  	[tilespmem:s14+$0x800] =	vst v3  }
0x2d: {  	[tilespmem:s14+$0x1700] =	vst v5  }
0x2e: {  	v1 =	vor.u32 $0x380, v0;
	v0 =	vadd.s32 $0xF42780, v0;
	[tilespmem:s14+$0x780] =	vst v6;
	s14 =	sor.u32 $0x380, s2;
	s2 =	smov.u32 s26  }
0x2f: {  	[tilespmem:s14+$0x600] =	vst v1  }
0x30: {  	[tilespmem:s14+$0x1600] =	vst v0  }
0x31: {  	v0 =	vld [tilespmem:s18+$0x0];
	_ =	sdelay $0x4  }
.Ltmp0:
0x32: {  	v1 =	vshll.u32 v0, $0x3;
	(pc) =	sbr.rel @p0 .LBB2_2-.Ltmp0, $4  }
0x33: {  	s20 =	sand.u32 $0x70, s15;
	s14 =	sand.u32 $0xC00, s24;
	v0 =	vand.u32 $0x7F, v0;
	v1 =	vand.u32 $0xFFFFFC00, v1  }
0x34: {  	s14 =	sor.u32 s20, s14;
	v0 =	vor.u32 v0, v1  }
0x35: {  	[tilespmem:s14+$0x600] =	vst v0;
	v5 =	vadd.s32 $0xF42400, v0;
	v3 =	vor.u32 $0x80, v0;
	v6 =	vadd.s32 $0xF42700, v0  }
0x36: {  	s20 =	smov.u32 s22;
	v2 =	vadd.s32 $0xF42480, v0;
	v1 =	vor.u32 $0x100, v0;
	v4 =	vor.u32 $0x300, v0;
	[tilespmem:s14+$0x1900] =	vst v6  }
0x37: {  	[tilespmem:s14+$0x1600] =	vst v5  }
0x38: {  	[tilespmem:s14+$0x680] =	vst v3  }
0x39: {  	[tilespmem:s14+$0x900] =	vst v4  }
0x3a: {  	[tilespmem:s14+$0x1680] =	vst v2  }
0x3b: {  	v3 =	vadd.s32 $0xF42580, v0;
	[tilespmem:s14+$0x700] =	vst v1  }
0x3c: {  	v4 =	vor.u32 $0x280, v0;
	[tilespmem:s14+$0x1780] =	vst v3  }
0x3d: {  	v2 =	vadd.s32 $0xF42680, v0;
	[tilespmem:s14+$0x880] =	vst v4  }
0x3e: {  	v1 =	vor.u32 $0x200, v0;
	[tilespmem:s14+$0x1880] =	vst v2  }
0x3f: {  	v3 =	vadd.s32 $0xF42600, v0;
	[tilespmem:s14+$0x800] =	vst v1  }
0x40: {  	v2 =	vadd.s32 $0xF42500, v0;
	[tilespmem:s14+$0x1800] =	vst v3  }
0x41: {  	v1 =	vor.u32 $0x180, v0;
	[tilespmem:s14+$0x1700] =	vst v2  }
0x42: {  	s2 =	sor.u32 $0x380, s2;
	[tilespmem:s14+$0x780] =	vst v1;
	v1 =	vor.u32 $0x380, v0  }
0x43: {  	v0 =	vadd.s32 $0xF42780, v0;
	[tilespmem:s2+$0x600] =	vst v1  }
0x44: {  	s22 =	simm.s32 $0x600;
	[tilespmem:s2+$0x1600] =	vst v0  }
0x45: {  	[tilespmem:s19], [sflag:$0x1] =	stream.indirect.gather [hbm4b:s1+s17], $0x1, s22, s17, $0xb8;
	[tilespmem:$0xC600] =	vst v63  }
0x46: {  	s24 =	simm.s32 $0x1600  }
0x47: {  	[tilespmem:s21], [sflag:$0x1] =	stream.indirect.gather [hbm4b:s1+s17], $0x1, s24, s17, $0xb8;
	[tilespmem:$0xC600] =	vst v63  }
0x48: {  	_ =	swait.ge [sflag:s16], $0x200  }
0x49: {  	[sflag:s16] =	ssyncset.done $0x0  }
0x4a: {  	s14 =	simm.s32 $0x200;
	[sflag:s16] =	ssyncadd.s32 $0xFFFFFE00  }
0x4b: {  	v0 =	vld [tilespmem:s14+$0x0];
	_ =	sdelay $0x4  }
0x4c: {  	v0 =	vadd.s32 $0xF4240, v0  }
0x4d: {  	s15 =	simm.s32 $0x0;
	v1 =	vshll.u32 v0, $0x3  }
0x4e: {  	s26 =	sand.u32 $0xC00, s15;
	s18 =	sand.u32 $0x70, s15;
	v0 =	vand.u32 $0x7F, v0;
	v1 =	vand.u32 $0xFFFFFC00, v1  }
0x4f: {  	s18 =	sor.u32 s18, s26;
	v0 =	vor.u32 v0, v1  }
0x50: {  	[tilespmem:s18+$0x2600] =	vst v0;
	v5 =	vadd.s32 $0xF42400, v0;
	v3 =	vor.u32 $0x80, v0;
	v6 =	vadd.s32 $0xF42700, v0  }
0x51: {  	s2 =	sor.u32 s15, s15;
	s22 =	simm.s32 $0x80;
	v2 =	vadd.s32 $0xF42480, v0;
	v1 =	vor.u32 $0x100, v0;
	v4 =	vor.u32 $0x300, v0;
	[tilespmem:s18+$0x3900] =	vst v6  }
.LBB2_4:
0x52: {  	s15 =	sadd.s32 $0x10, s15  }
0x53: {  	[tilespmem:s18+$0x3600] =	vst v5;
	v5 =	vadd.s32 $0xF42500, v0;
	v6 =	vor.u32 $0x180, v0;
	v7 =	vadd.s32 $0xF42580, v0;
	s14 =	sadd.s32 $0x10, s14;
	s24 =	smov.u32 s22;
	s20 =	sadd.s32 $0x80, s22  }
0x54: {  	p0 =	sne.s32 s22, $0xF80;
	v8 =	vadd.s32 $0xF42600, v0;
	v9 =	vor.u32 $0x280, v0;
	s26 =	sor.u32 s24, s15;
	[tilespmem:s18+$0x2680] =	vst v3;
	v3 =	vor.u32 $0x200, v0  }
0x55: {  	v10 =	vadd.s32 $0xF42680, v0;
	[tilespmem:s18+$0x2900] =	vst v4  }
0x56: {  	[tilespmem:s18+$0x3780] =	vst v7  }
0x57: {  	[tilespmem:s18+$0x2880] =	vst v9  }
0x58: {  	[tilespmem:s18+$0x3800] =	vst v8  }
0x59: {  	[tilespmem:s18+$0x3680] =	vst v2  }
0x5a: {  	[tilespmem:s18+$0x2700] =	vst v1  }
0x5b: {  	[tilespmem:s18+$0x3880] =	vst v10  }
0x5c: {  	[tilespmem:s18+$0x2800] =	vst v3  }
0x5d: {  	[tilespmem:s18+$0x3700] =	vst v5  }
0x5e: {  	v1 =	vor.u32 $0x380, v0;
	v0 =	vadd.s32 $0xF42780, v0;
	[tilespmem:s18+$0x2780] =	vst v6;
	s18 =	sor.u32 $0x380, s2;
	s2 =	smov.u32 s26  }
0x5f: {  	[tilespmem:s18+$0x2600] =	vst v1  }
0x60: {  	[tilespmem:s18+$0x3600] =	vst v0  }
0x61: {  	v0 =	vld [tilespmem:s14+$0x0];
	_ =	sdelay $0x4  }
0x62: {  	v0 =	vadd.s32 $0xF4240, v0  }
.Ltmp1:
0x63: {  	v1 =	vshll.u32 v0, $0x3;
	(pc) =	sbr.rel @p0 .LBB2_4-.Ltmp1, $4  }
0x64: {  	s22 =	sand.u32 $0x70, s15;
	s18 =	sand.u32 $0xC00, s24;
	v0 =	vand.u32 $0x7F, v0;
	v1 =	vand.u32 $0xFFFFFC00, v1  }
0x65: {  	s18 =	sor.u32 s22, s18;
	v0 =	vor.u32 v0, v1  }
0x66: {  	[tilespmem:s18+$0x2600] =	vst v0;
	v5 =	vadd.s32 $0xF42400, v0;
	v3 =	vor.u32 $0x80, v0;
	v6 =	vadd.s32 $0xF42700, v0  }
0x67: {  	s22 =	smov.u32 s20;
	v2 =	vadd.s32 $0xF42480, v0;
	v1 =	vor.u32 $0x100, v0;
	v4 =	vor.u32 $0x300, v0;
	[tilespmem:s18+$0x3900] =	vst v6  }
0x68: {  	[tilespmem:s18+$0x3600] =	vst v5  }
0x69: {  	[tilespmem:s18+$0x2680] =	vst v3  }
0x6a: {  	[tilespmem:s18+$0x2900] =	vst v4  }
0x6b: {  	[tilespmem:s18+$0x3680] =	vst v2  }
0x6c: {  	v3 =	vadd.s32 $0xF42580, v0;
	[tilespmem:s18+$0x2700] =	vst v1  }
0x6d: {  	v4 =	vor.u32 $0x280, v0;
	[tilespmem:s18+$0x3780] =	vst v3  }
0x6e: {  	v2 =	vadd.s32 $0xF42680, v0;
	[tilespmem:s18+$0x2880] =	vst v4  }
0x6f: {  	v1 =	vor.u32 $0x200, v0;
	[tilespmem:s18+$0x3880] =	vst v2  }
0x70: {  	v3 =	vadd.s32 $0xF42600, v0;
	[tilespmem:s18+$0x2800] =	vst v1  }
0x71: {  	v2 =	vadd.s32 $0xF42500, v0;
	[tilespmem:s18+$0x3800] =	vst v3  }
0x72: {  	v1 =	vor.u32 $0x180, v0;
	[tilespmem:s18+$0x3700] =	vst v2  }
0x73: {  	s2 =	sor.u32 $0x380, s2;
	[tilespmem:s18+$0x2780] =	vst v1;
	v1 =	vor.u32 $0x380, v0  }
0x74: {  	v0 =	vadd.s32 $0xF42780, v0;
	[tilespmem:s2+$0x2600] =	vst v1  }
0x75: {  	s20 =	simm.s32 $0x2600;
	[tilespmem:s2+$0x3600] =	vst v0  }
0x76: {  	[tilespmem:s23], [sflag:$0x1] =	stream.indirect.gather [hbm4b:s1+s17], $0x1, s20, s17, $0xb8;
	[tilespmem:$0xC600] =	vst v63  }
0x77: {  	s22 =	simm.s32 $0x3600  }
0x78: {  	[tilespmem:s25], [sflag:$0x1] =	stream.indirect.gather [hbm4b:s1+s17], $0x1, s22, s17, $0xb8;
	[tilespmem:$0xC600] =	vst v63  }
0x79: {  	_ =	swait.ge [sflag:s16], $0x200  }
0x7a: {  	[sflag:s16] =	ssyncset.done $0x0  }
0x7b: {  	s14 =	simm.s32 $0x400;
	[sflag:s16] =	ssyncadd.s32 $0xFFFFFE00  }
0x7c: {  	v0 =	vld [tilespmem:s14+$0x0];
	_ =	sdelay $0x4  }
0x7d: {  	v0 =	vadd.s32 $0xF4240, v0  }
0x7e: {  	s15 =	simm.s32 $0x0;
	v1 =	vshll.u32 v0, $0x3  }
0x7f: {  	s24 =	sand.u32 $0xC00, s15;
	s26 =	sand.u32 $0x70, s15;
	v0 =	vand.u32 $0x7F, v0;
	v1 =	vand.u32 $0xFFFFFC00, v1  }
0x80: {  	s18 =	sor.u32 s26, s24;
	v0 =	vor.u32 v0, v1  }
0x81: {  	[tilespmem:s18+$0x4600] =	vst v0;
	v5 =	vadd.s32 $0xF42400, v0;
	v3 =	vor.u32 $0x80, v0;
	v6 =	vadd.s32 $0xF42700, v0  }
0x82: {  	s2 =	sor.u32 s15, s15;
	s22 =	simm.s32 $0x80;
	v2 =	vadd.s32 $0xF42480, v0;
	v1 =	vor.u32 $0x100, v0;
	v4 =	vor.u32 $0x300, v0;
	[tilespmem:s18+$0x5900] =	vst v6  }
.LBB2_6:
0x83: {  	s15 =	sadd.s32 $0x10, s15  }
0x84: {  	[tilespmem:s18+$0x5600] =	vst v5;
	v5 =	vadd.s32 $0xF42500, v0;
	v6 =	vor.u32 $0x180, v0;
	v7 =	vadd.s32 $0xF42580, v0;
	s14 =	sadd.s32 $0x10, s14;
	s24 =	smov.u32 s22;
	s20 =	sadd.s32 $0x80, s22  }
0x85: {  	p0 =	sne.s32 s22, $0xF80;
	v8 =	vadd.s32 $0xF42600, v0;
	v9 =	vor.u32 $0x280, v0;
	s26 =	sor.u32 s24, s15;
	[tilespmem:s18+$0x4680] =	vst v3;
	v3 =	vor.u32 $0x200, v0  }
0x86: {  	v10 =	vadd.s32 $0xF42680, v0;
	[tilespmem:s18+$0x4900] =	vst v4  }
0x87: {  	[tilespmem:s18+$0x5780] =	vst v7  }
0x88: {  	[tilespmem:s18+$0x4880] =	vst v9  }
0x89: {  	[tilespmem:s18+$0x5800] =	vst v8  }
0x8a: {  	[tilespmem:s18+$0x5680] =	vst v2  }
0x8b: {  	[tilespmem:s18+$0x4700] =	vst v1  }
0x8c: {  	[tilespmem:s18+$0x5880] =	vst v10  }
0x8d: {  	[tilespmem:s18+$0x4800] =	vst v3  }
0x8e: {  	[tilespmem:s18+$0x5700] =	vst v5  }
0x8f: {  	v1 =	vor.u32 $0x380, v0;
	v0 =	vadd.s32 $0xF42780, v0;
	[tilespmem:s18+$0x4780] =	vst v6;
	s18 =	sor.u32 $0x380, s2;
	s2 =	smov.u32 s26  }
0x90: {  	[tilespmem:s18+$0x4600] =	vst v1  }
0x91: {  	[tilespmem:s18+$0x5600] =	vst v0  }
0x92: {  	v0 =	vld [tilespmem:s14+$0x0];
	_ =	sdelay $0x4  }
0x93: {  	v0 =	vadd.s32 $0xF4240, v0  }
.Ltmp2:
0x94: {  	v1 =	vshll.u32 v0, $0x3;
	(pc) =	sbr.rel @p0 .LBB2_6-.Ltmp2, $4  }
0x95: {  	s22 =	sand.u32 $0x70, s15;
	s18 =	sand.u32 $0xC00, s24;
	v0 =	vand.u32 $0x7F, v0;
	v1 =	vand.u32 $0xFFFFFC00, v1  }
0x96: {  	s18 =	sor.u32 s22, s18;
	v0 =	vor.u32 v0, v1  }
0x97: {  	[tilespmem:s18+$0x4600] =	vst v0;
	v5 =	vadd.s32 $0xF42400, v0;
	v3 =	vor.u32 $0x80, v0;
	v6 =	vadd.s32 $0xF42700, v0  }
0x98: {  	s22 =	smov.u32 s20;
	v2 =	vadd.s32 $0xF42480, v0;
	v1 =	vor.u32 $0x100, v0;
	v4 =	vor.u32 $0x300, v0;
	[tilespmem:s18+$0x5900] =	vst v6  }
0x99: {  	[tilespmem:s18+$0x5600] =	vst v5  }
0x9a: {  	[tilespmem:s18+$0x4680] =	vst v3  }
0x9b: {  	[tilespmem:s18+$0x4900] =	vst v4  }
0x9c: {  	[tilespmem:s18+$0x5680] =	vst v2  }
0x9d: {  	v55 =	vadd.s32 $0xF42580, v0;
	[tilespmem:s18+$0x4700] =	vst v1  }
0x9e: {  	v56 =	vor.u32 $0x280, v0;
	[tilespmem:s18+$0x5780] =	vst v55  }
0x9f: {  	v57 =	vadd.s32 $0xF42600, v0;
	[tilespmem:s18+$0x4880] =	vst v56  }
0xa0: {  	v58 =	vadd.s32 $0xF42680, v0;
	[tilespmem:s18+$0x5800] =	vst v57  }
0xa1: {  	v59 =	vor.u32 $0x200, v0;
	[tilespmem:s18+$0x5880] =	vst v58  }
0xa2: {  	v60 =	vadd.s32 $0xF42500, v0;
	[tilespmem:s18+$0x4800] =	vst v59  }
0xa3: {  	v61 =	vor.u32 $0x180, v0;
	[tilespmem:s18+$0x5700] =	vst v60  }
0xa4: {  	v62 =	vor.u32 $0x380, v0;
	s2 =	sor.u32 $0x380, s2;
	[tilespmem:s18+$0x4780] =	vst v61  }
0xa5: {  	v63 =	vadd.s32 $0xF42780, v0;
	[tilespmem:s2+$0x4600] =	vst v62  }
0xa6: {  	s26 =	simm.s32 $0x4600;
	[tilespmem:s2+$0x5600] =	vst v63  }
0xa7: {  	[tilespmem:s28], [sflag:$0x1] =	stream.indirect.gather [hbm4b:s1+s17], $0x1, s26, s17, $0xb8;
	[tilespmem:$0xC600] =	vst v63  }
0xa8: {  	_ = 	snop  }
0xa9: {  	[tilespmem:s30], [sflag:$0x1] =	stream.indirect.gather [hbm4b:s1+s17], $0x1, s29, s17, $0xb8;
	[tilespmem:$0xC600] =	vst v63  }
0xaa: {  	_ =	swait.ge [sflag:s31], $0x1000  }
0xab: {  	[sflag:s31] =	ssyncset.done $0x0  }
0xac: {  	[sflag:s31] =	ssyncadd.s32 $0xFFFFF000  }
0xad: {  	[hbm4b:s7+s3] =	stream.linear.scatter [tilespmem:s19], [sflag:$0x2], $0x1000, $0x38;
	[tilespmem:$0xC600] =	vst v63  }
0xae: {  	_ =	swait.ge [sflag:s31], $0x1000  }
0xaf: {  	[sflag:s31] =	ssyncset.done $0x0  }
0xb0: {  	[sflag:s31] =	ssyncadd.s32 $0xFFFFF000  }
0xb1: {  	[hbm4b:s8+s3] =	stream.linear.scatter [tilespmem:s21], [sflag:$0x2], $0x1000, $0x38;
	[tilespmem:$0xC600] =	vst v63  }
0xb2: {  	_ =	swait.ge [sflag:s31], $0x1000  }
0xb3: {  	[sflag:s31] =	ssyncset.done $0x0  }
0xb4: {  	[sflag:s31] =	ssyncadd.s32 $0xFFFFF000  }
0xb5: {  	[hbm4b:s9+s3] =	stream.linear.scatter [tilespmem:s23], [sflag:$0x2], $0x1000, $0x38;
	[tilespmem:$0xC600] =	vst v63  }
0xb6: {  	_ =	swait.ge [sflag:s31], $0x1000  }
0xb7: {  	[sflag:s31] =	ssyncset.done $0x0  }
0xb8: {  	[sflag:s31] =	ssyncadd.s32 $0xFFFFF000  }
0xb9: {  	[hbm4b:s10+s3] =	stream.linear.scatter [tilespmem:s25], [sflag:$0x2], $0x1000, $0x38;
	[tilespmem:$0xC600] =	vst v63  }
0xba: {  	_ =	swait.ge [sflag:s31], $0x1000  }
0xbb: {  	[sflag:s31] =	ssyncset.done $0x0  }
0xbc: {  	[sflag:s31] =	ssyncadd.s32 $0xFFFFF000  }
0xbd: {  	[hbm4b:s11+s3] =	stream.linear.scatter [tilespmem:s28], [sflag:$0x2], $0x1000, $0x38;
	[tilespmem:$0xC600] =	vst v63  }
0xbe: {  	_ =	swait.ge [sflag:s31], $0x1000  }
0xbf: {  	[sflag:s31] =	ssyncset.done $0x0  }
0xc0: {  	[sflag:s31] =	ssyncadd.s32 $0xFFFFF000  }
0xc1: {  	[hbm4b:s12+s3] =	stream.linear.scatter [tilespmem:s30], [sflag:$0x2], $0x1000, $0x38;
	[tilespmem:$0xC600] =	vst v63  }
0xc2: {  	_ =	swait.ge [sflag:s16], $0x1000  }
0xc3: {  	[sflag:s16] =	ssyncset.done $0x0  }
0xc4: {  	[sflag:s16] =	ssyncadd.s32 $0xFFFFF000  }
0xc5: {  	_ =	swait.ge [sflag:s16], $0x1000  }
0xc6: {  	[sflag:s16] =	ssyncset.done $0x0  }
0xc7: {  	[sflag:s16] =	ssyncadd.s32 $0xFFFFF000  }
0xc8: {  	_ =	swait.ge [sflag:s16], $0x1000  }
0xc9: {  	[sflag:s16] =	ssyncset.done $0x0  }
0xca: {  	[sflag:s16] =	ssyncadd.s32 $0xFFFFF000  }
0xcb: {  	_ =	swait.ge [sflag:s16], $0x1000  }
0xcc: {  	[sflag:s16] =	ssyncset.done $0x0  }
0xcd: {  	s0 =	sadd.s32 $0x1, s0;
	[sflag:s16] =	ssyncadd.s32 $0xFFFFF000  }
0xce: {  	p0 =	sne.s32 s0, s13;
	_ =	swait.ge [sflag:s16], $0x1000  }
.Ltmp3:
0xcf: {  	[sflag:s16] =	ssyncset.done $0x0;
	(pc) =	sbr.rel @p0 .LBB2_1-.Ltmp3, $4  }
0xd0: {  	[sflag:s16] =	ssyncadd.s32 $0xFFFFF000  }
0xd1: {  	_ =	swait.ge [sflag:s16], $0x1000  }
0xd2: {  	[sflag:s16] =	ssyncset.done $0x0  }
0xd3: {  	[sflag:s16] =	ssyncadd.s32 $0xFFFFF000  }
0xd4: {  	_ =	sfence.sel $0x180000  }
0xd5: {  	[bflag:$0x0] =	sbarrier.arrive $0xFFFF  }
0xd6: {  	_ =	strace $0x90000047  }
0xd7: {  	s0 =	stileid.u32;
	[bflag:$0x2] =	sbarrier.arrive $0xFFFF  }
0xd8: {  	p0 =	sne.s32 s0, $0x0;
	s0 =	rddreg [dreg:$0x7]  }
0xd9: {  	s0 =	sadd.s32 @!p0 $0x100000, s0  }
0xda: {  	[sflag:s0] =	ssyncadd.tile.s32 @!p0 $0x1;
	_ =	shalt  }
.Lfunc_end2:
_tile_overlayer_lowered:
.L_overlay_start_2:
0xdb: {  	(tag) =	ssettag $0x2  }
0xdc: {  	s0 =	rddreg [dreg:$0x0];
	s2 =	stileid.u32  }
0xdd: {  	s1 =	rddreg [dreg:$0x1];
	p0 =	sne.s32 s2, $0x0  }
0xde: {  	s3 =	rddreg [dreg:$0x2];
	[bflag:$0x3] =	sbarrier.arrive $0xFFFF;
	s2 =	simm.s32 @!p0 $0x1C03  }
0xdf: {  	[timem:s3], [sflag:s2] =	dma.local @!p0 [hbm:s0], s1  }
0xe0: {  	s0 =	simm.s32 @!p0 $0x3  }
0xe1: {  	_ =	swait.ge @!p0 [sflag:s0], s1  }
0xe2: {  	s1 =	ssub.s32 @!p0 $0x0, s1;
	[sflag:s0] =	ssyncset.done @!p0 $0x0  }
0xe3: {  	[sflag:s0] =	ssyncadd.s32 @!p0 s1  }
0xe4: {  	[bflag:$0x3] =	sbarrier.arrive $0xFFFF  }
0xe5: {  	_ =	shalt  }

</sc_bundles>
